<compile_context>
chip_gen: v7x
topology: tpu7x:2x2x1
jax: 0.10.2.dev20260603
libtpu: 0.0.44.dev20260713+nightly
codegen_flags: <defaults>
</compile_context>

<pallas_src>
import functools

import jax
import jax.numpy as jnp
from jax import lax
from jax.experimental import pallas as pl
from jax.experimental.pallas import tpu as pltpu
from jax.experimental.pallas import tpu_sc as plsc

NC = 2
NS = 16
LANES = 16
NW = NC * NS


def _sc_degrees(arr2d, n_pad):
    R, width = arr2d.shape
    rpt = R // NW
    gpr = width // 16
    mesh = plsc.VectorSubcoreMesh(core_axis_name="c", subcore_axis_name="s", num_cores=NC, num_subcores=NS)

    @functools.partial(
        pl.kernel,
        out_type=jax.ShapeDtypeStruct((NW, n_pad), jnp.float32),
        mesh=mesh,
        scratch_types=[
            pltpu.VMEM((rpt, width), jnp.int32),
            pltpu.VMEM((n_pad,), jnp.float32),
        ],
        compiler_params=pltpu.CompilerParams(needs_layout_passes=False),
    )
    def deg_kernel(sd_hbm, out_hbm, idx_v, hist_v):
        c = lax.axis_index("c")
        s = lax.axis_index("s")
        w = c * NS + s
        pltpu.sync_copy(sd_hbm.at[pl.ds(w * rpt, rpt)], idx_v)
        z16 = jnp.zeros((16,), jnp.float32)

        def zbody(i, carry):
            hist_v[pl.ds(i * 16, 16)] = z16
            return carry

        lax.fori_loop(0, n_pad // 16, zbody, 0)
        ones16 = jnp.ones((16,), jnp.float32)

        def body(r, carry):
            for g in range(gpr):
                vec = idx_v[r, pl.ds(g * 16, 16)]
                plsc.addupdate_scatter(hist_v, [vec], ones16)
            return carry

        lax.fori_loop(0, rpt, body, 0)
        pltpu.sync_copy(hist_v, out_hbm.at[w])

    return deg_kernel(arr2d)


def _sc_gather_scatter(h_pad, sd2d, n_pad):
    D = h_pad.shape[1]
    R, width = sd2d.shape[1], sd2d.shape[2]
    rpt = R // NW
    zrows = n_pad // NS
    mesh = plsc.VectorSubcoreMesh(core_axis_name="c", subcore_axis_name="s", num_cores=NC, num_subcores=NS)

    nslot = 5
    gdep = 3
    nchunk = 5
    rptc = rpt // nchunk
    ntail = rptc % nslot
    assert rpt % nchunk == 0 and rptc % 8 == 0

    @functools.partial(
        pl.kernel,
        out_type=jax.ShapeDtypeStruct((2, n_pad, D), jnp.float32),
        mesh=mesh,
        scratch_types=[
            pltpu.VMEM((2, rptc, width), jnp.int32),
            pltpu.VMEM((width, D), jnp.float32),
            pltpu.VMEM((width, D), jnp.float32),
            pltpu.VMEM((width, D), jnp.float32),
            pltpu.VMEM((width, D), jnp.float32),
            pltpu.VMEM((width, D), jnp.float32),
            pltpu.SemaphoreType.DMA,
            pltpu.SemaphoreType.DMA,
            pltpu.SemaphoreType.DMA,
            pltpu.SemaphoreType.DMA,
            pltpu.SemaphoreType.DMA,
            pltpu.SemaphoreType.DMA,
            pltpu.SemaphoreType.DMA,
            pltpu.SemaphoreType.DMA,
            pltpu.SemaphoreType.DMA,
            pltpu.SemaphoreType.DMA,
            pltpu.VMEM_SHARED((n_pad, D), jnp.float32),
        ],
    )
    def gs_kernel(h_hbm, sd_hbm, out_hbm, idx_v,
                  b0, b1, b2, b3, b4, g0, g1, g2, g3, g4,
                  t0, t1, t2, t3, t4, agg_sh):
        bufs = (b0, b1, b2, b3, b4)
        gsem = (g0, g1, g2, g3, g4)
        ssem = (t0, t1, t2, t3, t4)
        c = lax.axis_index("c")
        s = lax.axis_index("s")
        w = c * NS + s
        z16 = jnp.zeros((16,), jnp.float32)

        def zbody(i, carry):
            b0[i // (D // 16), pl.ds((i % (D // 16)) * 16, 16)] = z16
            return carry

        lax.fori_loop(0, width * (D // 16), zbody, 0)
        for k in range(zrows // width):
            pltpu.sync_copy(b0, agg_sh.at[pl.ds(s * zrows + k * width, width)])
        zrem = zrows % width
        if zrem:
            pltpu.sync_copy(
                b0.at[pl.ds(0, zrem)],
                agg_sh.at[pl.ds(s * zrows + (zrows - zrem), zrem)])
        plsc.subcore_barrier()

        def outer(ch, carry):
            base = w * rpt + ch * rptc
            pltpu.sync_copy(sd_hbm.at[0, pl.ds(base, rptc)], idx_v.at[0])
            pltpu.sync_copy(sd_hbm.at[1, pl.ds(base, rptc)], idx_v.at[1])
            for b in range(gdep):
                pltpu.async_copy(h_hbm.at[idx_v.at[0, b]], bufs[b], gsem[b])

            def visit(j, b, nb, first, last):
                pltpu.make_async_copy(h_hbm.at[idx_v.at[0, j]], bufs[b],
                                      gsem[b]).wait()
                pltpu.async_copy(bufs[b], agg_sh.at[idx_v.at[1, j]],
                                 ssem[b], add=True)

                if not first:
                    pltpu.make_async_copy(
                        bufs[nb], agg_sh.at[idx_v.at[1, j]], ssem[nb]).wait()
                if not last:
                    pltpu.async_copy(h_hbm.at[idx_v.at[0, j + gdep]],
                                     bufs[nb], gsem[nb])

            def body(g, carry2):
                for u in range(nslot):
                    j = g * nslot + u

                    @pl.when(j >= nslot - gdep)
                    def _():
                        pltpu.make_async_copy(
                            bufs[(u + gdep) % nslot],
                            agg_sh.at[idx_v.at[1, j]],
                            ssem[(u + gdep) % nslot]).wait()

                    pltpu.make_async_copy(h_hbm.at[idx_v.at[0, j]], bufs[u],
                                          gsem[u]).wait()
                    pltpu.async_copy(bufs[u], agg_sh.at[idx_v.at[1, j]],
                                     ssem[u], add=True)

                    @pl.when(j + gdep < rptc)
                    def _():
                        pltpu.async_copy(h_hbm.at[idx_v.at[0, j + gdep]],
                                         bufs[(u + gdep) % nslot],
                                         gsem[(u + gdep) % nslot])
                return carry2

            lax.fori_loop(0, rptc // nslot, body, 0)
            for j in range(rptc - ntail, rptc):
                b = j % nslot
                nb = (j + gdep) % nslot
                pltpu.make_async_copy(
                    bufs[nb], agg_sh.at[idx_v.at[1, j]], ssem[nb]).wait()
                pltpu.make_async_copy(h_hbm.at[idx_v.at[0, j]], bufs[b],
                                      gsem[b]).wait()
                pltpu.async_copy(bufs[b], agg_sh.at[idx_v.at[1, j]],
                                 ssem[b], add=True)
            for j in range(rptc - (nslot - gdep), rptc):
                b = j % nslot
                pltpu.make_async_copy(bufs[b], agg_sh.at[idx_v.at[1, j]],
                                      ssem[b]).wait()
            return carry

        lax.fori_loop(0, nchunk, outer, 0)
        plsc.subcore_barrier()
        pltpu.sync_copy(agg_sh.at[pl.ds(s * zrows, zrows)],
                        out_hbm.at[c, pl.ds(s * zrows, zrows)])

    return gs_kernel(h_pad, sd2d)


def _tc_normalize(feats, deg_src, n_pad, blk):
    N, D = feats.shape

    def nk(f_ref, d_ref, o_ref):
        deg = jnp.sum(d_ref[...], axis=0)
        scale = lax.rsqrt(jnp.maximum(deg, 1.0)).reshape(blk, 1)
        o_ref[...] = f_ref[...] * scale

    return pl.pallas_call(
        nk,
        grid=(pl.cdiv(n_pad, blk),),
        in_specs=[
            pl.BlockSpec((blk, D), lambda i: (i, 0)),
            pl.BlockSpec((NW, blk), lambda i: (0, i)),
        ],
        out_specs=pl.BlockSpec((blk, D), lambda i: (i, 0)),
        out_shape=jax.ShapeDtypeStruct((n_pad, D), jnp.float32),
    )(feats, deg_src)


def _tc_finalize(parts, deg_dst, W, b2d, n_out, blk):
    D = parts.shape[2]
    DO = W.shape[1]

    def fk(p_ref, d_ref, w_ref, b_ref, o_ref):
        agg = p_ref[0] + p_ref[1]
        deg = jnp.sum(d_ref[...], axis=0)
        scale = lax.rsqrt(jnp.maximum(deg, 1.0)).reshape(d_ref.shape[1], 1)
        acc = jnp.dot(agg * scale, w_ref[...],
                      preferred_element_type=jnp.float32) + b_ref[...]
        o_ref[...] = jnp.maximum(acc, 0.0)

    return pl.pallas_call(
        fk,
        grid=(pl.cdiv(n_out, blk),),
        in_specs=[
            pl.BlockSpec((2, blk, D), lambda i: (0, i, 0)),
            pl.BlockSpec((NW, blk), lambda i: (0, i)),
            pl.BlockSpec((D, DO), lambda i: (0, 0)),
            pl.BlockSpec((1, DO), lambda i: (0, 0)),
        ],
        out_specs=pl.BlockSpec((blk, DO), lambda i: (i, 0)),
        out_shape=jax.ShapeDtypeStruct((n_out, DO), jnp.float32),
    )(parts, deg_dst, W, b2d)


def kernel(feats, edge_index, W, b):
    N, D = feats.shape
    E = edge_index.shape[1]

    width = 64
    epad = pl.cdiv(E, width * NW * 8) * (width * NW * 8)
    fill = N + (jnp.arange(epad - E, dtype=jnp.int32) % width)
    tail = jnp.broadcast_to(fill.reshape(1, -1, width),
                            (2, (epad - E) // width, width))
    ei3d = edge_index.astype(jnp.int32).reshape(2, E // width, width)
    sd2d = jnp.concatenate([ei3d, tail], axis=1)

    n_pad = pl.cdiv(N + width, 128) * 128

    deg_src = _sc_degrees(sd2d[0], n_pad)
    deg_dst = _sc_degrees(sd2d[1], n_pad)

    h_pad = _tc_normalize(feats, deg_src, n_pad, 1280)

    parts = _sc_gather_scatter(h_pad, sd2d, n_pad)

    return _tc_finalize(parts, deg_dst, W, b.reshape(1, -1), N, 1024)

# --- scband reference (transcript-rebuilt; emitter-appended) ---
"""Pipeline reference for scband-graph-conv-layer-69458211111561 (READ-ONLY COPY).

The authoritative reference and input builder live on the scoring server;
editing this copy changes nothing except your own understanding.
"""

import jax, jax.numpy as jnp
import numpy as np

N_NODES = 10000
N_EDGES = 320000
D_IN = 128
D_OUT = 128

def setup_inputs(seed: int = 0) -> dict:
    key = jax.random.key(seed)
    k1, k2, k3, k4 = jax.random.split(key, 4)
    feats = jax.random.normal(k1, (N_NODES, D_IN), dtype=jnp.float32)
    edge_index = jax.random.randint(k2, (2, N_EDGES), 0, N_NODES, dtype=jnp.int64)
    # GraphConv weight (Glorot-style scale) and bias
    W = jax.random.normal(k3, (D_IN, D_OUT), dtype=jnp.float32) * (1.0 / np.sqrt(D_IN))
    b = jnp.zeros((D_OUT,), dtype=jnp.float32)
    return {"feats": feats, "edge_index": edge_index, "W": W, "b": b}

def reference(feats, edge_index, W, b):
    # DGL GraphConv with norm='both', allow_zero_in_degree=True, followed by ReLU.
    # Dropout is treated as identity (eval-mode reference).
    src = edge_index[0]
    dst = edge_index[1]
    N = feats.shape[0]
    deg_out = jnp.clip(jnp.bincount(src, length=N), 1).astype(feats.dtype)
    deg_in = jnp.clip(jnp.bincount(dst, length=N), 1).astype(feats.dtype)
    norm_src = jax.lax.rsqrt(deg_out)
    norm_dst = jax.lax.rsqrt(deg_in)
    # in_feats == out_feats -> aggregate first, then linear (same math either way)
    h = feats * norm_src[:, None]
    msgs = jnp.take(h, src, axis=0)
    agg = jnp.zeros((N, h.shape[1]), dtype=h.dtype).at[dst].add(msgs)
    agg = agg * norm_dst[:, None]
    out = agg @ W + b
    return jax.nn.relu(out)

if __name__ == "__main__":
    import jax
    _d = setup_inputs()
    print(jax.jit(kernel)(*tuple(_d.values())))

</pallas_src>

<mosaic_0001>
#map = affine_map<(d0, d1) -> (0, 0)>
module attributes {stable_mosaic.version = 14 : i64} {
  func.func @deg_kernel(%arg0: i32, %arg1: i32, %arg2: memref<5120x64xi32, #tpu.memory_space<hbm>>, %arg3: memref<32x10112xf32, #tpu.memory_space<hbm>>, %arg4: memref<160x64xi32, #tpu.memory_space<vmem>>, %arg5: memref<10112xf32, #tpu.memory_space<vmem>>) attributes {dimension_semantics = [#tpu.dimension_semantics<core_parallel>, #tpu.dimension_semantics<subcore_parallel>], iteration_bounds = array<i64: 2, 16>, scalar_prefetch = 0 : i64, scratch_operands = 2 : i64, tpu.core_type = #tpu.core_type<sc_vector_subcore>, window_params = [{transform_indices = #map}, {transform_indices = #map}]} {
    %mul3A = arith.constant 16 : i32
    %mul3A_0 = arith.muli %arg0, %mul3A : i32
    %add3A = arith.addi %mul3A_0, %arg1 : i32
    %mul3A_1 = arith.constant 160 : i32
    %mul3A_2 = arith.muli %add3A, %mul3A_1 : i32
    "tpu.region"() ({
      %run_scoped3A = tpu.sem_alloc : memref<!tpu.dma_semaphore, #tpu.memory_space<semaphore_mem>>
      %dma_start3A = arith.constant 0 : i32
      %dma_start3A_17 = tpu.memref_slice %arg2[%mul3A_2, %dma_start3A] : memref<5120x64xi32, #tpu.memory_space<hbm>> -> memref<160x64xi32, #tpu.memory_space<hbm>>
      %dma_start3A_18 = arith.constant 0 : i32
      %dma_start3A_19 = tpu.memref_slice %arg2[%mul3A_2, %dma_start3A_18] : memref<5120x64xi32, #tpu.memory_space<hbm>> -> memref<160x64xi32, #tpu.memory_space<hbm>>
      tpu.enqueue_dma source(%dma_start3A_19 : memref<160x64xi32, #tpu.memory_space<hbm>>) target(%arg4 : memref<160x64xi32, #tpu.memory_space<vmem>>) target_semaphore(%run_scoped3A : memref<!tpu.dma_semaphore, #tpu.memory_space<semaphore_mem>>)
      %dma_wait3A = arith.constant 0 : i32
      %dma_wait3A_20 = tpu.memref_slice %arg2[%mul3A_2, %dma_wait3A] : memref<5120x64xi32, #tpu.memory_space<hbm>> -> memref<160x64xi32, #tpu.memory_space<hbm>>
      %dma_wait3A_21 = arith.constant 0 : i32
      %dma_wait3A_22 = tpu.memref_slice %arg2[%mul3A_2, %dma_wait3A_21] : memref<5120x64xi32, #tpu.memory_space<hbm>> -> memref<160x64xi32, #tpu.memory_space<hbm>>
      tpu.wait_dma2 semaphore(%run_scoped3A : memref<!tpu.dma_semaphore, #tpu.memory_space<semaphore_mem>>) src(%dma_wait3A_22 : memref<160x64xi32, #tpu.memory_space<hbm>>) dst(%arg4 : memref<160x64xi32, #tpu.memory_space<vmem>>)
      tpu.yield
    }) : () -> ()
    %broadcast_in_dim3A = arith.constant 0.000000e+00 : f32
    %broadcast_in_dim3A_3 = vector.broadcast %broadcast_in_dim3A : f32 to vector<16xf32>
    %scan3A = arith.constant 0 : i32
    %scan3A_4 = arith.constant 0 : i32
    %scan3A_5 = arith.constant 632 : i32
    %scan3A_6 = arith.addi %scan3A_4, %scan3A_5 : i32
    %scan3A_7 = arith.constant 1 : i32
    scf.for %scan3A_17 = %scan3A_4 to %scan3A_6 step %scan3A_7  : i32 {
      %mul3A_18 = arith.constant 16 : i32
      %mul3A_19 = arith.muli %scan3A_17, %mul3A_18 : i32
      %swap3A = arith.index_cast %mul3A_19 : i32 to index
      %swap3A_20 = tpu.vector_load %arg5[%swap3A] {strides = array<i32>} : memref<10112xf32, #tpu.memory_space<vmem>>, vector<16xf32>,
      tpu.vector_store %arg5[%swap3A], %broadcast_in_dim3A_3 {strides = array<i32>} : memref<10112xf32, #tpu.memory_space<vmem>>, vector<16xf32>,
    }
    %scan3A_8 = arith.constant 632 : i32
    %broadcast_in_dim3A_9 = arith.constant 1.000000e+00 : f32
    %broadcast_in_dim3A_10 = vector.broadcast %broadcast_in_dim3A_9 : f32 to vector<16xf32>
    %scan3A_11 = arith.constant 0 : i32
    %scan3A_12 = arith.constant 0 : i32
    %scan3A_13 = arith.constant 160 : i32
    %scan3A_14 = arith.addi %scan3A_12, %scan3A_13 : i32
    %scan3A_15 = arith.constant 1 : i32
    scf.for %scan3A_17 = %scan3A_12 to %scan3A_14 step %scan3A_15  : i32 {
      %get3A = arith.index_cast %scan3A_17 : i32 to index
      %get3A_18 = arith.constant 0 : index
      %get3A_19 = tpu.vector_load %arg4[%get3A, %get3A_18] {strides = array<i32>} : memref<160x64xi32, #tpu.memory_space<vmem>>, vector<16xi32>,
      tpu.vector_store_idx %arg5[%get3A_19], %broadcast_in_dim3A_10 {add = true} : memref<10112xf32, #tpu.memory_space<vmem>>[vector<16xi32>], vector<16xf32>,
      %get3A_20 = arith.index_cast %scan3A_17 : i32 to index
      %get3A_21 = arith.constant 16 : index
      %get3A_22 = tpu.vector_load %arg4[%get3A_20, %get3A_21] {strides = array<i32>} : memref<160x64xi32, #tpu.memory_space<vmem>>, vector<16xi32>,
      tpu.vector_store_idx %arg5[%get3A_22], %broadcast_in_dim3A_10 {add = true} : memref<10112xf32, #tpu.memory_space<vmem>>[vector<16xi32>], vector<16xf32>,
      %get3A_23 = arith.index_cast %scan3A_17 : i32 to index
      %get3A_24 = arith.constant 32 : index
      %get3A_25 = tpu.vector_load %arg4[%get3A_23, %get3A_24] {strides = array<i32>} : memref<160x64xi32, #tpu.memory_space<vmem>>, vector<16xi32>,
      tpu.vector_store_idx %arg5[%get3A_25], %broadcast_in_dim3A_10 {add = true} : memref<10112xf32, #tpu.memory_space<vmem>>[vector<16xi32>], vector<16xf32>,
      %get3A_26 = arith.index_cast %scan3A_17 : i32 to index
      %get3A_27 = arith.constant 48 : index
      %get3A_28 = tpu.vector_load %arg4[%get3A_26, %get3A_27] {strides = array<i32>} : memref<160x64xi32, #tpu.memory_space<vmem>>, vector<16xi32>,
      tpu.vector_store_idx %arg5[%get3A_28], %broadcast_in_dim3A_10 {add = true} : memref<10112xf32, #tpu.memory_space<vmem>>[vector<16xi32>], vector<16xf32>,
    }
    %scan3A_16 = arith.constant 160 : i32
    "tpu.region"() ({
      %run_scoped3A = tpu.sem_alloc : memref<!tpu.dma_semaphore, #tpu.memory_space<semaphore_mem>>
      %dma_start3A = arith.constant 0 : i32
      %dma_start3A_17 = tpu.memref_slice %arg3[%add3A, %dma_start3A] : memref<32x10112xf32, #tpu.memory_space<hbm>> -> memref<1x10112xf32, #tpu.memory_space<hbm>>
      %dma_start3A_18 = tpu.memref_squeeze %dma_start3A_17 : memref<1x10112xf32, #tpu.memory_space<hbm>> -> memref<10112xf32, #tpu.memory_space<hbm>>
      %dma_start3A_19 = arith.constant 0 : i32
      %dma_start3A_20 = tpu.memref_slice %arg3[%add3A, %dma_start3A_19] : memref<32x10112xf32, #tpu.memory_space<hbm>> -> memref<1x10112xf32, #tpu.memory_space<hbm>>
      %dma_start3A_21 = tpu.memref_squeeze %dma_start3A_20 : memref<1x10112xf32, #tpu.memory_space<hbm>> -> memref<10112xf32, #tpu.memory_space<hbm>>
      tpu.enqueue_dma source(%arg5 : memref<10112xf32, #tpu.memory_space<vmem>>) target(%dma_start3A_21 : memref<10112xf32, #tpu.memory_space<hbm>>) target_semaphore(%run_scoped3A : memref<!tpu.dma_semaphore, #tpu.memory_space<semaphore_mem>>)
      %dma_wait3A = arith.constant 0 : i32
      %dma_wait3A_22 = tpu.memref_slice %arg3[%add3A, %dma_wait3A] : memref<32x10112xf32, #tpu.memory_space<hbm>> -> memref<1x10112xf32, #tpu.memory_space<hbm>>
      %dma_wait3A_23 = tpu.memref_squeeze %dma_wait3A_22 : memref<1x10112xf32, #tpu.memory_space<hbm>> -> memref<10112xf32, #tpu.memory_space<hbm>>
      %dma_wait3A_24 = arith.constant 0 : i32
      %dma_wait3A_25 = tpu.memref_slice %arg3[%add3A, %dma_wait3A_24] : memref<32x10112xf32, #tpu.memory_space<hbm>> -> memref<1x10112xf32, #tpu.memory_space<hbm>>
      %dma_wait3A_26 = tpu.memref_squeeze %dma_wait3A_25 : memref<1x10112xf32, #tpu.memory_space<hbm>> -> memref<10112xf32, #tpu.memory_space<hbm>>
      tpu.wait_dma2 semaphore(%run_scoped3A : memref<!tpu.dma_semaphore, #tpu.memory_space<semaphore_mem>>) src(%arg5 : memref<10112xf32, #tpu.memory_space<vmem>>) dst(%dma_wait3A_26 : memref<10112xf32, #tpu.memory_space<hbm>>)
      tpu.yield
    }) : () -> ()
    return
  }
}

#map = affine_map<(d0, d1) -> (0, 0)>
module attributes {stable_mosaic.version = 14 : i64} {
  func.func @deg_kernel(%arg0: i32, %arg1: i32, %arg2: memref<5120x64xi32, #tpu.memory_space<hbm>>, %arg3: memref<32x10112xf32, #tpu.memory_space<hbm>>, %arg4: memref<160x64xi32, #tpu.memory_space<vmem>>, %arg5: memref<10112xf32, #tpu.memory_space<vmem>>) attributes {dimension_semantics = [#tpu.dimension_semantics<core_parallel>, #tpu.dimension_semantics<subcore_parallel>], iteration_bounds = array<i64: 2, 16>, scalar_prefetch = 0 : i64, scratch_operands = 2 : i64, tpu.core_type = #tpu.core_type<sc_vector_subcore>, window_params = [{transform_indices = #map}, {transform_indices = #map}]} {
    %mul3A = arith.constant 16 : i32
    %mul3A_0 = arith.muli %arg0, %mul3A : i32
    %add3A = arith.addi %mul3A_0, %arg1 : i32
    %mul3A_1 = arith.constant 160 : i32
    %mul3A_2 = arith.muli %add3A, %mul3A_1 : i32
    "tpu.region"() ({
      %run_scoped3A = tpu.sem_alloc : memref<!tpu.dma_semaphore, #tpu.memory_space<semaphore_mem>>
      %dma_start3A = arith.constant 0 : i32
      %dma_start3A_17 = tpu.memref_slice %arg2[%mul3A_2, %dma_start3A] : memref<5120x64xi32, #tpu.memory_space<hbm>> -> memref<160x64xi32, #tpu.memory_space<hbm>>
      %dma_start3A_18 = arith.constant 0 : i32
      %dma_start3A_19 = tpu.memref_slice %arg2[%mul3A_2, %dma_start3A_18] : memref<5120x64xi32, #tpu.memory_space<hbm>> -> memref<160x64xi32, #tpu.memory_space<hbm>>
      tpu.enqueue_dma source(%dma_start3A_19 : memref<160x64xi32, #tpu.memory_space<hbm>>) target(%arg4 : memref<160x64xi32, #tpu.memory_space<vmem>>) target_semaphore(%run_scoped3A : memref<!tpu.dma_semaphore, #tpu.memory_space<semaphore_mem>>)
      %dma_wait3A = arith.constant 0 : i32
      %dma_wait3A_20 = tpu.memref_slice %arg2[%mul3A_2, %dma_wait3A] : memref<5120x64xi32, #tpu.memory_space<hbm>> -> memref<160x64xi32, #tpu.memory_space<hbm>>
      %dma_wait3A_21 = arith.constant 0 : i32
      %dma_wait3A_22 = tpu.memref_slice %arg2[%mul3A_2, %dma_wait3A_21] : memref<5120x64xi32, #tpu.memory_space<hbm>> -> memref<160x64xi32, #tpu.memory_space<hbm>>
      tpu.wait_dma2 semaphore(%run_scoped3A : memref<!tpu.dma_semaphore, #tpu.memory_space<semaphore_mem>>) src(%dma_wait3A_22 : memref<160x64xi32, #tpu.memory_space<hbm>>) dst(%arg4 : memref<160x64xi32, #tpu.memory_space<vmem>>)
      tpu.yield
    }) : () -> ()
    %broadcast_in_dim3A = arith.constant 0.000000e+00 : f32
    %broadcast_in_dim3A_3 = vector.broadcast %broadcast_in_dim3A : f32 to vector<16xf32>
    %scan3A = arith.constant 0 : i32
    %scan3A_4 = arith.constant 0 : i32
    %scan3A_5 = arith.constant 632 : i32
    %scan3A_6 = arith.addi %scan3A_4, %scan3A_5 : i32
    %scan3A_7 = arith.constant 1 : i32
    scf.for %scan3A_17 = %scan3A_4 to %scan3A_6 step %scan3A_7  : i32 {
      %mul3A_18 = arith.constant 16 : i32
      %mul3A_19 = arith.muli %scan3A_17, %mul3A_18 : i32
      %swap3A = arith.index_cast %mul3A_19 : i32 to index
      %swap3A_20 = tpu.vector_load %arg5[%swap3A] {strides = array<i32>} : memref<10112xf32, #tpu.memory_space<vmem>>, vector<16xf32>,
      tpu.vector_store %arg5[%swap3A], %broadcast_in_dim3A_3 {strides = array<i32>} : memref<10112xf32, #tpu.memory_space<vmem>>, vector<16xf32>,
    }
    %scan3A_8 = arith.constant 632 : i32
    %broadcast_in_dim3A_9 = arith.constant 1.000000e+00 : f32
    %broadcast_in_dim3A_10 = vector.broadcast %broadcast_in_dim3A_9 : f32 to vector<16xf32>
    %scan3A_11 = arith.constant 0 : i32
    %scan3A_12 = arith.constant 0 : i32
    %scan3A_13 = arith.constant 160 : i32
    %scan3A_14 = arith.addi %scan3A_12, %scan3A_13 : i32
    %scan3A_15 = arith.constant 1 : i32
    scf.for %scan3A_17 = %scan3A_12 to %scan3A_14 step %scan3A_15  : i32 {
      %get3A = arith.index_cast %scan3A_17 : i32 to index
      %get3A_18 = arith.constant 0 : index
      %get3A_19 = tpu.vector_load %arg4[%get3A, %get3A_18] {strides = array<i32>} : memref<160x64xi32, #tpu.memory_space<vmem>>, vector<16xi32>,
      tpu.vector_store_idx %arg5[%get3A_19], %broadcast_in_dim3A_10 {add = true} : memref<10112xf32, #tpu.memory_space<vmem>>[vector<16xi32>], vector<16xf32>,
      %get3A_20 = arith.index_cast %scan3A_17 : i32 to index
      %get3A_21 = arith.constant 16 : index
      %get3A_22 = tpu.vector_load %arg4[%get3A_20, %get3A_21] {strides = array<i32>} : memref<160x64xi32, #tpu.memory_space<vmem>>, vector<16xi32>,
      tpu.vector_store_idx %arg5[%get3A_22], %broadcast_in_dim3A_10 {add = true} : memref<10112xf32, #tpu.memory_space<vmem>>[vector<16xi32>], vector<16xf32>,
      %get3A_23 = arith.index_cast %scan3A_17 : i32 to index
      %get3A_24 = arith.constant 32 : index
      %get3A_25 = tpu.vector_load %arg4[%get3A_23, %get3A_24] {strides = array<i32>} : memref<160x64xi32, #tpu.memory_space<vmem>>, vector<16xi32>,
      tpu.vector_store_idx %arg5[%get3A_25], %broadcast_in_dim3A_10 {add = true} : memref<10112xf32, #tpu.memory_space<vmem>>[vector<16xi32>], vector<16xf32>,
      %get3A_26 = arith.index_cast %scan3A_17 : i32 to index
      %get3A_27 = arith.constant 48 : index
      %get3A_28 = tpu.vector_load %arg4[%get3A_26, %get3A_27] {strides = array<i32>} : memref<160x64xi32, #tpu.memory_space<vmem>>, vector<16xi32>,
      tpu.vector_store_idx %arg5[%get3A_28], %broadcast_in_dim3A_10 {add = true} : memref<10112xf32, #tpu.memory_space<vmem>>[vector<16xi32>], vector<16xf32>,
    }
    %scan3A_16 = arith.constant 160 : i32
    "tpu.region"() ({
      %run_scoped3A = tpu.sem_alloc : memref<!tpu.dma_semaphore, #tpu.memory_space<semaphore_mem>>
      %dma_start3A = arith.constant 0 : i32
      %dma_start3A_17 = tpu.memref_slice %arg3[%add3A, %dma_start3A] : memref<32x10112xf32, #tpu.memory_space<hbm>> -> memref<1x10112xf32, #tpu.memory_space<hbm>>
      %dma_start3A_18 = tpu.memref_squeeze %dma_start3A_17 : memref<1x10112xf32, #tpu.memory_space<hbm>> -> memref<10112xf32, #tpu.memory_space<hbm>>
      %dma_start3A_19 = arith.constant 0 : i32
      %dma_start3A_20 = tpu.memref_slice %arg3[%add3A, %dma_start3A_19] : memref<32x10112xf32, #tpu.memory_space<hbm>> -> memref<1x10112xf32, #tpu.memory_space<hbm>>
      %dma_start3A_21 = tpu.memref_squeeze %dma_start3A_20 : memref<1x10112xf32, #tpu.memory_space<hbm>> -> memref<10112xf32, #tpu.memory_space<hbm>>
      tpu.enqueue_dma source(%arg5 : memref<10112xf32, #tpu.memory_space<vmem>>) target(%dma_start3A_21 : memref<10112xf32, #tpu.memory_space<hbm>>) target_semaphore(%run_scoped3A : memref<!tpu.dma_semaphore, #tpu.memory_space<semaphore_mem>>)
      %dma_wait3A = arith.constant 0 : i32
      %dma_wait3A_22 = tpu.memref_slice %arg3[%add3A, %dma_wait3A] : memref<32x10112xf32, #tpu.memory_space<hbm>> -> memref<1x10112xf32, #tpu.memory_space<hbm>>
      %dma_wait3A_23 = tpu.memref_squeeze %dma_wait3A_22 : memref<1x10112xf32, #tpu.memory_space<hbm>> -> memref<10112xf32, #tpu.memory_space<hbm>>
      %dma_wait3A_24 = arith.constant 0 : i32
      %dma_wait3A_25 = tpu.memref_slice %arg3[%add3A, %dma_wait3A_24] : memref<32x10112xf32, #tpu.memory_space<hbm>> -> memref<1x10112xf32, #tpu.memory_space<hbm>>
      %dma_wait3A_26 = tpu.memref_squeeze %dma_wait3A_25 : memref<1x10112xf32, #tpu.memory_space<hbm>> -> memref<10112xf32, #tpu.memory_space<hbm>>
      tpu.wait_dma2 semaphore(%run_scoped3A : memref<!tpu.dma_semaphore, #tpu.memory_space<semaphore_mem>>) src(%arg5 : memref<10112xf32, #tpu.memory_space<vmem>>) dst(%dma_wait3A_26 : memref<10112xf32, #tpu.memory_space<hbm>>)
      tpu.yield
    }) : () -> ()
    return
  }
}

#map = affine_map<(d0, d1) -> (0, 0)>
#map1 = affine_map<(d0, d1) -> (0, 0, 0)>
module attributes {stable_mosaic.version = 14 : i64} {
  func.func @gs_kernel(%arg0: i32, %arg1: i32, %arg2: memref<10112x128xf32, #tpu.memory_space<hbm>>, %arg3: memref<2x5120x64xi32, #tpu.memory_space<hbm>>, %arg4: memref<2x10112x128xf32, #tpu.memory_space<hbm>>, %arg5: memref<2x32x64xi32, #tpu.memory_space<vmem>>, %arg6: memref<64x128xf32, #tpu.memory_space<vmem>>, %arg7: memref<64x128xf32, #tpu.memory_space<vmem>>, %arg8: memref<64x128xf32, #tpu.memory_space<vmem>>, %arg9: memref<64x128xf32, #tpu.memory_space<vmem>>, %arg10: memref<64x128xf32, #tpu.memory_space<vmem>>, %arg11: memref<!tpu.dma_semaphore, #tpu.memory_space<semaphore_mem>>, %arg12: memref<!tpu.dma_semaphore, #tpu.memory_space<semaphore_mem>>, %arg13: memref<!tpu.dma_semaphore, #tpu.memory_space<semaphore_mem>>, %arg14: memref<!tpu.dma_semaphore, #tpu.memory_space<semaphore_mem>>, %arg15: memref<!tpu.dma_semaphore, #tpu.memory_space<semaphore_mem>>, %arg16: memref<!tpu.dma_semaphore, #tpu.memory_space<semaphore_mem>>, %arg17: memref<!tpu.dma_semaphore, #tpu.memory_space<semaphore_mem>>, %arg18: memref<!tpu.dma_semaphore, #tpu.memory_space<semaphore_mem>>, %arg19: memref<!tpu.dma_semaphore, #tpu.memory_space<semaphore_mem>>, %arg20: memref<!tpu.dma_semaphore, #tpu.memory_space<semaphore_mem>>, %arg21: memref<10112x128xf32, #tpu.memory_space<vmem_shared>>) attributes {dimension_semantics = [#tpu.dimension_semantics<core_parallel>, #tpu.dimension_semantics<subcore_parallel>], iteration_bounds = array<i64: 2, 16>, scalar_prefetch = 0 : i64, scratch_operands = 17 : i64, tpu.core_type = #tpu.core_type<sc_vector_subcore>, window_params = [{transform_indices = #map}, {transform_indices = #map1}, {transform_indices = #map1}]} {
    %mul3A = arith.constant 16 : i32
    %mul3A_0 = arith.muli %arg0, %mul3A : i32
    %add3A = arith.addi %mul3A_0, %arg1 : i32
    %broadcast_in_dim3A = arith.constant 0.000000e+00 : f32
    %broadcast_in_dim3A_1 = vector.broadcast %broadcast_in_dim3A : f32 to vector<16xf32>
    %scan3A = arith.constant 0 : i32
    %scan3A_2 = arith.constant 0 : i32
    %scan3A_3 = arith.constant 512 : i32
    %scan3A_4 = arith.addi %scan3A_2, %scan3A_3 : i32
    %scan3A_5 = arith.constant 1 : i32
    scf.for %scan3A_58 = %scan3A_2 to %scan3A_4 step %scan3A_5  : i32 {
      %jit3A = arith.constant 8 : i32
      %div3A = arith.divsi %scan3A_58, %jit3A : i32
      %sign3A = arith.constant 0 : i32
      %sign3A_59 = arith.cmpi sgt, %scan3A_58, %sign3A : i32
      %sign3A_60 = arith.extui %sign3A_59 : i1 to i32
      %sign3A_61 = arith.constant 0 : i32
      %sign3A_62 = arith.cmpi slt, %scan3A_58, %sign3A_61 : i32
      %sign3A_63 = arith.extui %sign3A_62 : i1 to i32
      %sign3A_64 = arith.subi %sign3A_60, %sign3A_63 : i32
      %sign3A_65 = arith.constant 0 : i32
      %sign3A_66 = arith.cmpi sgt, %jit3A, %sign3A_65 : i32
      %sign3A_67 = arith.extui %sign3A_66 : i1 to i32
      %sign3A_68 = arith.constant 0 : i32
      %sign3A_69 = arith.cmpi slt, %jit3A, %sign3A_68 : i32
      %sign3A_70 = arith.extui %sign3A_69 : i1 to i32
      %sign3A_71 = arith.subi %sign3A_67, %sign3A_70 : i32
      %ne3A = arith.cmpi ne, %sign3A_64, %sign3A_71 : i32
      %rem3A = arith.remsi %scan3A_58, %jit3A : i32
      %ne3A_72 = arith.constant 0 : i32
      %ne3A_73 = arith.cmpi ne, %rem3A, %ne3A_72 : i32
      %and3A = arith.andi %ne3A, %ne3A_73 : i1
      %sub3A = arith.constant 1 : i32
      %sub3A_74 = arith.subi %div3A, %sub3A : i32
      %select_n3A = arith.select %and3A, %sub3A_74, %div3A : i32
      %jit3A_75 = arith.constant 8 : i32
      %eq3A = arith.constant 0 : i32
      %eq3A_76 = arith.cmpi eq, %jit3A_75, %eq3A : i32
      %jit3A_77 = arith.constant 1 : i32
      %select_n3A_78 = arith.select %eq3A_76, %jit3A_77, %jit3A_75 : i32
      %rem3A_79 = arith.remsi %scan3A_58, %select_n3A_78 : i32
      %ne3A_80 = arith.constant 0 : i32
      %ne3A_81 = arith.cmpi ne, %rem3A_79, %ne3A_80 : i32
      %lt3A = arith.constant 0 : i32
      %lt3A_82 = arith.cmpi slt, %rem3A_79, %lt3A : i32
      %lt3A_83 = arith.constant 0 : i32
      %lt3A_84 = arith.cmpi slt, %select_n3A_78, %lt3A_83 : i32
      %ne3A_85 = arith.xori %lt3A_82, %lt3A_84 : i1
      %and3A_86 = arith.andi %ne3A_85, %ne3A_81 : i1
      %add3A_87 = arith.addi %rem3A_79, %select_n3A_78 : i32
      %select_n3A_88 = arith.select %and3A_86, %add3A_87, %rem3A_79 : i32
      %mul3A_89 = arith.constant 16 : i32
      %mul3A_90 = arith.muli %select_n3A_88, %mul3A_89 : i32
      %swap3A = arith.index_cast %select_n3A : i32 to index
      %swap3A_91 = arith.index_cast %mul3A_90 : i32 to index
      %swap3A_92 = tpu.vector_load %arg6[%swap3A, %swap3A_91] {strides = array<i32>} : memref<64x128xf32, #tpu.memory_space<vmem>>, vector<1x16xf32>,
      %swap3A_93 = vector.shape_cast %swap3A_92 : vector<1x16xf32> to vector<16xf32>
      %swap3A_94 = vector.shape_cast %broadcast_in_dim3A_1 : vector<16xf32> to vector<1x16xf32>
      tpu.vector_store %arg6[%swap3A, %swap3A_91], %swap3A_94 {strides = array<i32>} : memref<64x128xf32, #tpu.memory_space<vmem>>, vector<1x16xf32>,
    }
    %scan3A_6 = arith.constant 512 : i32
    %mul3A_7 = arith.constant 632 : i32
    %mul3A_8 = arith.muli %arg1, %mul3A_7 : i32
    %add3A_9 = arith.constant 0 : i32
    %add3A_10 = arith.addi %mul3A_8, %add3A_9 : i32
    "tpu.region"() ({
      %run_scoped3A = tpu.sem_alloc : memref<!tpu.dma_semaphore, #tpu.memory_space<semaphore_mem>>
      %dma_start3A = arith.constant 0 : i32
      %dma_start3A_58 = tpu.memref_slice %arg21[%add3A_10, %dma_start3A] : memref<10112x128xf32, #tpu.memory_space<vmem_shared>> -> memref<64x128xf32, #tpu.memory_space<vmem_shared>>
      %dma_start3A_59 = arith.constant 0 : i32
      %dma_start3A_60 = tpu.memref_slice %arg21[%add3A_10, %dma_start3A_59] : memref<10112x128xf32, #tpu.memory_space<vmem_shared>> -> memref<64x128xf32, #tpu.memory_space<vmem_shared>>
      tpu.enqueue_dma source(%arg6 : memref<64x128xf32, #tpu.memory_space<vmem>>) target(%dma_start3A_60 : memref<64x128xf32, #tpu.memory_space<vmem_shared>>) target_semaphore(%run_scoped3A : memref<!tpu.dma_semaphore, #tpu.memory_space<semaphore_mem>>)
      %dma_wait3A = arith.constant 0 : i32
      %dma_wait3A_61 = tpu.memref_slice %arg21[%add3A_10, %dma_wait3A] : memref<10112x128xf32, #tpu.memory_space<vmem_shared>> -> memref<64x128xf32, #tpu.memory_space<vmem_shared>>
      %dma_wait3A_62 = arith.constant 0 : i32
      %dma_wait3A_63 = tpu.memref_slice %arg21[%add3A_10, %dma_wait3A_62] : memref<10112x128xf32, #tpu.memory_space<vmem_shared>> -> memref<64x128xf32, #tpu.memory_space<vmem_shared>>
      tpu.wait_dma2 semaphore(%run_scoped3A : memref<!tpu.dma_semaphore, #tpu.memory_space<semaphore_mem>>) src(%arg6 : memref<64x128xf32, #tpu.memory_space<vmem>>) dst(%dma_wait3A_63 : memref<64x128xf32, #tpu.memory_space<vmem_shared>>)
      tpu.yield
    }) : () -> ()
    %mul3A_11 = arith.constant 632 : i32
    %mul3A_12 = arith.muli %arg1, %mul3A_11 : i32
    %add3A_13 = arith.constant 64 : i32
    %add3A_14 = arith.addi %mul3A_12, %add3A_13 : i32
    "tpu.region"() ({
      %run_scoped3A = tpu.sem_alloc : memref<!tpu.dma_semaphore, #tpu.memory_space<semaphore_mem>>
      %dma_start3A = arith.constant 0 : i32
      %dma_start3A_58 = tpu.memref_slice %arg21[%add3A_14, %dma_start3A] : memref<10112x128xf32, #tpu.memory_space<vmem_shared>> -> memref<64x128xf32, #tpu.memory_space<vmem_shared>>
      %dma_start3A_59 = arith.constant 0 : i32
      %dma_start3A_60 = tpu.memref_slice %arg21[%add3A_14, %dma_start3A_59] : memref<10112x128xf32, #tpu.memory_space<vmem_shared>> -> memref<64x128xf32, #tpu.memory_space<vmem_shared>>
      tpu.enqueue_dma source(%arg6 : memref<64x128xf32, #tpu.memory_space<vmem>>) target(%dma_start3A_60 : memref<64x128xf32, #tpu.memory_space<vmem_shared>>) target_semaphore(%run_scoped3A : memref<!tpu.dma_semaphore, #tpu.memory_space<semaphore_mem>>)
      %dma_wait3A = arith.constant 0 : i32
      %dma_wait3A_61 = tpu.memref_slice %arg21[%add3A_14, %dma_wait3A] : memref<10112x128xf32, #tpu.memory_space<vmem_shared>> -> memref<64x128xf32, #tpu.memory_space<vmem_shared>>
      %dma_wait3A_62 = arith.constant 0 : i32
      %dma_wait3A_63 = tpu.memref_slice %arg21[%add3A_14, %dma_wait3A_62] : memref<10112x128xf32, #tpu.memory_space<vmem_shared>> -> memref<64x128xf32, #tpu.memory_space<vmem_shared>>
      tpu.wait_dma2 semaphore(%run_scoped3A : memref<!tpu.dma_semaphore, #tpu.memory_space<semaphore_mem>>) src(%arg6 : memref<64x128xf32, #tpu.memory_space<vmem>>) dst(%dma_wait3A_63 : memref<64x128xf32, #tpu.memory_space<vmem_shared>>)
      tpu.yield
    }) : () -> ()
    %mul3A_15 = arith.constant 632 : i32
    %mul3A_16 = arith.muli %arg1, %mul3A_15 : i32
    %add3A_17 = arith.constant 128 : i32
    %add3A_18 = arith.addi %mul3A_16, %add3A_17 : i32
    "tpu.region"() ({
      %run_scoped3A = tpu.sem_alloc : memref<!tpu.dma_semaphore, #tpu.memory_space<semaphore_mem>>
      %dma_start3A = arith.constant 0 : i32
      %dma_start3A_58 = tpu.memref_slice %arg21[%add3A_18, %dma_start3A] : memref<10112x128xf32, #tpu.memory_space<vmem_shared>> -> memref<64x128xf32, #tpu.memory_space<vmem_shared>>
      %dma_start3A_59 = arith.constant 0 : i32
      %dma_start3A_60 = tpu.memref_slice %arg21[%add3A_18, %dma_start3A_59] : memref<10112x128xf32, #tpu.memory_space<vmem_shared>> -> memref<64x128xf32, #tpu.memory_space<vmem_shared>>
      tpu.enqueue_dma source(%arg6 : memref<64x128xf32, #tpu.memory_space<vmem>>) target(%dma_start3A_60 : memref<64x128xf32, #tpu.memory_space<vmem_shared>>) target_semaphore(%run_scoped3A : memref<!tpu.dma_semaphore, #tpu.memory_space<semaphore_mem>>)
      %dma_wait3A = arith.constant 0 : i32
      %dma_wait3A_61 = tpu.memref_slice %arg21[%add3A_18, %dma_wait3A] : memref<10112x128xf32, #tpu.memory_space<vmem_shared>> -> memref<64x128xf32, #tpu.memory_space<vmem_shared>>
      %dma_wait3A_62 = arith.constant 0 : i32
      %dma_wait3A_63 = tpu.memref_slice %arg21[%add3A_18, %dma_wait3A_62] : memref<10112x128xf32, #tpu.memory_space<vmem_shared>> -> memref<64x128xf32, #tpu.memory_space<vmem_shared>>
      tpu.wait_dma2 semaphore(%run_scoped3A : memref<!tpu.dma_semaphore, #tpu.memory_space<semaphore_mem>>) src(%arg6 : memref<64x128xf32, #tpu.memory_space<vmem>>) dst(%dma_wait3A_63 : memref<64x128xf32, #tpu.memory_space<vmem_shared>>)
      tpu.yield
    }) : () -> ()
    %mul3A_19 = arith.constant 632 : i32
    %mul3A_20 = arith.muli %arg1, %mul3A_19 : i32
    %add3A_21 = arith.constant 192 : i32
    %add3A_22 = arith.addi %mul3A_20, %add3A_21 : i32
    "tpu.region"() ({
      %run_scoped3A = tpu.sem_alloc : memref<!tpu.dma_semaphore, #tpu.memory_space<semaphore_mem>>
      %dma_start3A = arith.constant 0 : i32
      %dma_start3A_58 = tpu.memref_slice %arg21[%add3A_22, %dma_start3A] : memref<10112x128xf32, #tpu.memory_space<vmem_shared>> -> memref<64x128xf32, #tpu.memory_space<vmem_shared>>
      %dma_start3A_59 = arith.constant 0 : i32
      %dma_start3A_60 = tpu.memref_slice %arg21[%add3A_22, %dma_start3A_59] : memref<10112x128xf32, #tpu.memory_space<vmem_shared>> -> memref<64x128xf32, #tpu.memory_space<vmem_shared>>
      tpu.enqueue_dma source(%arg6 : memref<64x128xf32, #tpu.memory_space<vmem>>) target(%dma_start3A_60 : memref<64x128xf32, #tpu.memory_space<vmem_shared>>) target_semaphore(%run_scoped3A : memref<!tpu.dma_semaphore, #tpu.memory_space<semaphore_mem>>)
      %dma_wait3A = arith.constant 0 : i32
      %dma_wait3A_61 = tpu.memref_slice %arg21[%add3A_22, %dma_wait3A] : memref<10112x128xf32, #tpu.memory_space<vmem_shared>> -> memref<64x128xf32, #tpu.memory_space<vmem_shared>>
      %dma_wait3A_62 = arith.constant 0 : i32
      %dma_wait3A_63 = tpu.memref_slice %arg21[%add3A_22, %dma_wait3A_62] : memref<10112x128xf32, #tpu.memory_space<vmem_shared>> -> memref<64x128xf32, #tpu.memory_space<vmem_shared>>
      tpu.wait_dma2 semaphore(%run_scoped3A : memref<!tpu.dma_semaphore, #tpu.memory_space<semaphore_mem>>) src(%arg6 : memref<64x128xf32, #tpu.memory_space<vmem>>) dst(%dma_wait3A_63 : memref<64x128xf32, #tpu.memory_space<vmem_shared>>)
      tpu.yield
    }) : () -> ()
    %mul3A_23 = arith.constant 632 : i32
    %mul3A_24 = arith.muli %arg1, %mul3A_23 : i32
    %add3A_25 = arith.constant 256 : i32
    %add3A_26 = arith.addi %mul3A_24, %add3A_25 : i32
    "tpu.region"() ({
      %run_scoped3A = tpu.sem_alloc : memref<!tpu.dma_semaphore, #tpu.memory_space<semaphore_mem>>
      %dma_start3A = arith.constant 0 : i32
      %dma_start3A_58 = tpu.memref_slice %arg21[%add3A_26, %dma_start3A] : memref<10112x128xf32, #tpu.memory_space<vmem_shared>> -> memref<64x128xf32, #tpu.memory_space<vmem_shared>>
      %dma_start3A_59 = arith.constant 0 : i32
      %dma_start3A_60 = tpu.memref_slice %arg21[%add3A_26, %dma_start3A_59] : memref<10112x128xf32, #tpu.memory_space<vmem_shared>> -> memref<64x128xf32, #tpu.memory_space<vmem_shared>>
      tpu.enqueue_dma source(%arg6 : memref<64x128xf32, #tpu.memory_space<vmem>>) target(%dma_start3A_60 : memref<64x128xf32, #tpu.memory_space<vmem_shared>>) target_semaphore(%run_scoped3A : memref<!tpu.dma_semaphore, #tpu.memory_space<semaphore_mem>>)
      %dma_wait3A = arith.constant 0 : i32
      %dma_wait3A_61 = tpu.memref_slice %arg21[%add3A_26, %dma_wait3A] : memref<10112x128xf32, #tpu.memory_space<vmem_shared>> -> memref<64x128xf32, #tpu.memory_space<vmem_shared>>
      %dma_wait3A_62 = arith.constant 0 : i32
      %dma_wait3A_63 = tpu.memref_slice %arg21[%add3A_26, %dma_wait3A_62] : memref<10112x128xf32, #tpu.memory_space<vmem_shared>> -> memref<64x128xf32, #tpu.memory_space<vmem_shared>>
      tpu.wait_dma2 semaphore(%run_scoped3A : memref<!tpu.dma_semaphore, #tpu.memory_space<semaphore_mem>>) src(%arg6 : memref<64x128xf32, #tpu.memory_space<vmem>>) dst(%dma_wait3A_63 : memref<64x128xf32, #tpu.memory_space<vmem_shared>>)
      tpu.yield
    }) : () -> ()
    %mul3A_27 = arith.constant 632 : i32
    %mul3A_28 = arith.muli %arg1, %mul3A_27 : i32
    %add3A_29 = arith.constant 320 : i32
    %add3A_30 = arith.addi %mul3A_28, %add3A_29 : i32
    "tpu.region"() ({
      %run_scoped3A = tpu.sem_alloc : memref<!tpu.dma_semaphore, #tpu.memory_space<semaphore_mem>>
      %dma_start3A = arith.constant 0 : i32
      %dma_start3A_58 = tpu.memref_slice %arg21[%add3A_30, %dma_start3A] : memref<10112x128xf32, #tpu.memory_space<vmem_shared>> -> memref<64x128xf32, #tpu.memory_space<vmem_shared>>
      %dma_start3A_59 = arith.constant 0 : i32
      %dma_start3A_60 = tpu.memref_slice %arg21[%add3A_30, %dma_start3A_59] : memref<10112x128xf32, #tpu.memory_space<vmem_shared>> -> memref<64x128xf32, #tpu.memory_space<vmem_shared>>
      tpu.enqueue_dma source(%arg6 : memref<64x128xf32, #tpu.memory_space<vmem>>) target(%dma_start3A_60 : memref<64x128xf32, #tpu.memory_space<vmem_shared>>) target_semaphore(%run_scoped3A : memref<!tpu.dma_semaphore, #tpu.memory_space<semaphore_mem>>)
      %dma_wait3A = arith.constant 0 : i32
      %dma_wait3A_61 = tpu.memref_slice %arg21[%add3A_30, %dma_wait3A] : memref<10112x128xf32, #tpu.memory_space<vmem_shared>> -> memref<64x128xf32, #tpu.memory_space<vmem_shared>>
      %dma_wait3A_62 = arith.constant 0 : i32
      %dma_wait3A_63 = tpu.memref_slice %arg21[%add3A_30, %dma_wait3A_62] : memref<10112x128xf32, #tpu.memory_space<vmem_shared>> -> memref<64x128xf32, #tpu.memory_space<vmem_shared>>
      tpu.wait_dma2 semaphore(%run_scoped3A : memref<!tpu.dma_semaphore, #tpu.memory_space<semaphore_mem>>) src(%arg6 : memref<64x128xf32, #tpu.memory_space<vmem>>) dst(%dma_wait3A_63 : memref<64x128xf32, #tpu.memory_space<vmem_shared>>)
      tpu.yield
    }) : () -> ()
    %mul3A_31 = arith.constant 632 : i32
    %mul3A_32 = arith.muli %arg1, %mul3A_31 : i32
    %add3A_33 = arith.constant 384 : i32
    %add3A_34 = arith.addi %mul3A_32, %add3A_33 : i32
    "tpu.region"() ({
      %run_scoped3A = tpu.sem_alloc : memref<!tpu.dma_semaphore, #tpu.memory_space<semaphore_mem>>
      %dma_start3A = arith.constant 0 : i32
      %dma_start3A_58 = tpu.memref_slice %arg21[%add3A_34, %dma_start3A] : memref<10112x128xf32, #tpu.memory_space<vmem_shared>> -> memref<64x128xf32, #tpu.memory_space<vmem_shared>>
      %dma_start3A_59 = arith.constant 0 : i32
      %dma_start3A_60 = tpu.memref_slice %arg21[%add3A_34, %dma_start3A_59] : memref<10112x128xf32, #tpu.memory_space<vmem_shared>> -> memref<64x128xf32, #tpu.memory_space<vmem_shared>>
      tpu.enqueue_dma source(%arg6 : memref<64x128xf32, #tpu.memory_space<vmem>>) target(%dma_start3A_60 : memref<64x128xf32, #tpu.memory_space<vmem_shared>>) target_semaphore(%run_scoped3A : memref<!tpu.dma_semaphore, #tpu.memory_space<semaphore_mem>>)
      %dma_wait3A = arith.constant 0 : i32
      %dma_wait3A_61 = tpu.memref_slice %arg21[%add3A_34, %dma_wait3A] : memref<10112x128xf32, #tpu.memory_space<vmem_shared>> -> memref<64x128xf32, #tpu.memory_space<vmem_shared>>
      %dma_wait3A_62 = arith.constant 0 : i32
      %dma_wait3A_63 = tpu.memref_slice %arg21[%add3A_34, %dma_wait3A_62] : memref<10112x128xf32, #tpu.memory_space<vmem_shared>> -> memref<64x128xf32, #tpu.memory_space<vmem_shared>>
      tpu.wait_dma2 semaphore(%run_scoped3A : memref<!tpu.dma_semaphore, #tpu.memory_space<semaphore_mem>>) src(%arg6 : memref<64x128xf32, #tpu.memory_space<vmem>>) dst(%dma_wait3A_63 : memref<64x128xf32, #tpu.memory_space<vmem_shared>>)
      tpu.yield
    }) : () -> ()
    %mul3A_35 = arith.constant 632 : i32
    %mul3A_36 = arith.muli %arg1, %mul3A_35 : i32
    %add3A_37 = arith.constant 448 : i32
    %add3A_38 = arith.addi %mul3A_36, %add3A_37 : i32
    "tpu.region"() ({
      %run_scoped3A = tpu.sem_alloc : memref<!tpu.dma_semaphore, #tpu.memory_space<semaphore_mem>>
      %dma_start3A = arith.constant 0 : i32
      %dma_start3A_58 = tpu.memref_slice %arg21[%add3A_38, %dma_start3A] : memref<10112x128xf32, #tpu.memory_space<vmem_shared>> -> memref<64x128xf32, #tpu.memory_space<vmem_shared>>
      %dma_start3A_59 = arith.constant 0 : i32
      %dma_start3A_60 = tpu.memref_slice %arg21[%add3A_38, %dma_start3A_59] : memref<10112x128xf32, #tpu.memory_space<vmem_shared>> -> memref<64x128xf32, #tpu.memory_space<vmem_shared>>
      tpu.enqueue_dma source(%arg6 : memref<64x128xf32, #tpu.memory_space<vmem>>) target(%dma_start3A_60 : memref<64x128xf32, #tpu.memory_space<vmem_shared>>) target_semaphore(%run_scoped3A : memref<!tpu.dma_semaphore, #tpu.memory_space<semaphore_mem>>)
      %dma_wait3A = arith.constant 0 : i32
      %dma_wait3A_61 = tpu.memref_slice %arg21[%add3A_38, %dma_wait3A] : memref<10112x128xf32, #tpu.memory_space<vmem_shared>> -> memref<64x128xf32, #tpu.memory_space<vmem_shared>>
      %dma_wait3A_62 = arith.constant 0 : i32
      %dma_wait3A_63 = tpu.memref_slice %arg21[%add3A_38, %dma_wait3A_62] : memref<10112x128xf32, #tpu.memory_space<vmem_shared>> -> memref<64x128xf32, #tpu.memory_space<vmem_shared>>
      tpu.wait_dma2 semaphore(%run_scoped3A : memref<!tpu.dma_semaphore, #tpu.memory_space<semaphore_mem>>) src(%arg6 : memref<64x128xf32, #tpu.memory_space<vmem>>) dst(%dma_wait3A_63 : memref<64x128xf32, #tpu.memory_space<vmem_shared>>)
      tpu.yield
    }) : () -> ()
    %mul3A_39 = arith.constant 632 : i32
    %mul3A_40 = arith.muli %arg1, %mul3A_39 : i32
    %add3A_41 = arith.constant 512 : i32
    %add3A_42 = arith.addi %mul3A_40, %add3A_41 : i32
    "tpu.region"() ({
      %run_scoped3A = tpu.sem_alloc : memref<!tpu.dma_semaphore, #tpu.memory_space<semaphore_mem>>
      %dma_start3A = arith.constant 0 : i32
      %dma_start3A_58 = tpu.memref_slice %arg21[%add3A_42, %dma_start3A] : memref<10112x128xf32, #tpu.memory_space<vmem_shared>> -> memref<64x128xf32, #tpu.memory_space<vmem_shared>>
      %dma_start3A_59 = arith.constant 0 : i32
      %dma_start3A_60 = tpu.memref_slice %arg21[%add3A_42, %dma_start3A_59] : memref<10112x128xf32, #tpu.memory_space<vmem_shared>> -> memref<64x128xf32, #tpu.memory_space<vmem_shared>>
      tpu.enqueue_dma source(%arg6 : memref<64x128xf32, #tpu.memory_space<vmem>>) target(%dma_start3A_60 : memref<64x128xf32, #tpu.memory_space<vmem_shared>>) target_semaphore(%run_scoped3A : memref<!tpu.dma_semaphore, #tpu.memory_space<semaphore_mem>>)
      %dma_wait3A = arith.constant 0 : i32
      %dma_wait3A_61 = tpu.memref_slice %arg21[%add3A_42, %dma_wait3A] : memref<10112x128xf32, #tpu.memory_space<vmem_shared>> -> memref<64x128xf32, #tpu.memory_space<vmem_shared>>
      %dma_wait3A_62 = arith.constant 0 : i32
      %dma_wait3A_63 = tpu.memref_slice %arg21[%add3A_42, %dma_wait3A_62] : memref<10112x128xf32, #tpu.memory_space<vmem_shared>> -> memref<64x128xf32, #tpu.memory_space<vmem_shared>>
      tpu.wait_dma2 semaphore(%run_scoped3A : memref<!tpu.dma_semaphore, #tpu.memory_space<semaphore_mem>>) src(%arg6 : memref<64x128xf32, #tpu.memory_space<vmem>>) dst(%dma_wait3A_63 : memref<64x128xf32, #tpu.memory_space<vmem_shared>>)
      tpu.yield
    }) : () -> ()
    %mul3A_43 = arith.constant 632 : i32
    %mul3A_44 = arith.muli %arg1, %mul3A_43 : i32
    %add3A_45 = arith.constant 576 : i32
    %add3A_46 = arith.addi %mul3A_44, %add3A_45 : i32
    "tpu.region"() ({
      %run_scoped3A = tpu.sem_alloc : memref<!tpu.dma_semaphore, #tpu.memory_space<semaphore_mem>>
      %dma_start3A = arith.constant 0 : i32
      %dma_start3A_58 = arith.constant 0 : i32
      %dma_start3A_59 = tpu.memref_slice %arg6[%dma_start3A, %dma_start3A_58] : memref<64x128xf32, #tpu.memory_space<vmem>> -> memref<56x128xf32, #tpu.memory_space<vmem>>
      %dma_start3A_60 = arith.constant 0 : i32
      %dma_start3A_61 = tpu.memref_slice %arg21[%add3A_46, %dma_start3A_60] : memref<10112x128xf32, #tpu.memory_space<vmem_shared>> -> memref<56x128xf32, #tpu.memory_space<vmem_shared>>
      %dma_start3A_62 = arith.constant 0 : i32
      %dma_start3A_63 = tpu.memref_slice %arg21[%add3A_46, %dma_start3A_62] : memref<10112x128xf32, #tpu.memory_space<vmem_shared>> -> memref<56x128xf32, #tpu.memory_space<vmem_shared>>
      %dma_start3A_64 = arith.constant 0 : i32
      %dma_start3A_65 = arith.constant 0 : i32
      %dma_start3A_66 = tpu.memref_slice %arg6[%dma_start3A_64, %dma_start3A_65] : memref<64x128xf32, #tpu.memory_space<vmem>> -> memref<56x128xf32, #tpu.memory_space<vmem>>
      tpu.enqueue_dma source(%dma_start3A_66 : memref<56x128xf32, #tpu.memory_space<vmem>>) target(%dma_start3A_63 : memref<56x128xf32, #tpu.memory_space<vmem_shared>>) target_semaphore(%run_scoped3A : memref<!tpu.dma_semaphore, #tpu.memory_space<semaphore_mem>>)
      %dma_wait3A = arith.constant 0 : i32
      %dma_wait3A_67 = arith.constant 0 : i32
      %dma_wait3A_68 = tpu.memref_slice %arg6[%dma_wait3A, %dma_wait3A_67] : memref<64x128xf32, #tpu.memory_space<vmem>> -> memref<56x128xf32, #tpu.memory_space<vmem>>
      %dma_wait3A_69 = arith.constant 0 : i32
      %dma_wait3A_70 = tpu.memref_slice %arg21[%add3A_46, %dma_wait3A_69] : memref<10112x128xf32, #tpu.memory_space<vmem_shared>> -> memref<56x128xf32, #tpu.memory_space<vmem_shared>>
      %dma_wait3A_71 = arith.constant 0 : i32
      %dma_wait3A_72 = tpu.memref_slice %arg21[%add3A_46, %dma_wait3A_71] : memref<10112x128xf32, #tpu.memory_space<vmem_shared>> -> memref<56x128xf32, #tpu.memory_space<vmem_shared>>
      %dma_wait3A_73 = arith.constant 0 : i32
      %dma_wait3A_74 = arith.constant 0 : i32
      %dma_wait3A_75 = tpu.memref_slice %arg6[%dma_wait3A_73, %dma_wait3A_74] : memref<64x128xf32, #tpu.memory_space<vmem>> -> memref<56x128xf32, #tpu.memory_space<vmem>>
      tpu.wait_dma2 semaphore(%run_scoped3A : memref<!tpu.dma_semaphore, #tpu.memory_space<semaphore_mem>>) src(%dma_wait3A_75 : memref<56x128xf32, #tpu.memory_space<vmem>>) dst(%dma_wait3A_72 : memref<56x128xf32, #tpu.memory_space<vmem_shared>>)
      tpu.yield
    }) : () -> ()
    %barrier3A = arith.constant 0 : index
    tpu.barrier barrier_id(%barrier3A)
    %scan3A_47 = arith.constant 0 : i32
    %scan3A_48 = arith.constant 0 : i32
    %scan3A_49 = arith.constant 5 : i32
    %scan3A_50 = arith.addi %scan3A_48, %scan3A_49 : i32
    %scan3A_51 = arith.constant 1 : i32
    scf.for %scan3A_58 = %scan3A_48 to %scan3A_50 step %scan3A_51  : i32 {
      %mul3A_59 = arith.constant 160 : i32
      %mul3A_60 = arith.muli %add3A, %mul3A_59 : i32
      %mul3A_61 = arith.constant 32 : i32
      %mul3A_62 = arith.muli %scan3A_58, %mul3A_61 : i32
      %add3A_63 = arith.addi %mul3A_60, %mul3A_62 : i32
      %run_scoped3A = arith.constant 0 : i32
      %run_scoped3A_64 = arith.constant 0 : i32
      "tpu.region"() ({
        %run_scoped3A_159 = tpu.sem_alloc : memref<!tpu.dma_semaphore, #tpu.memory_space<semaphore_mem>>
        %dma_start3A_160 = arith.constant 0 : i32
        %dma_start3A_161 = arith.constant 0 : i32
        %dma_start3A_162 = tpu.memref_slice %arg5[%run_scoped3A_64, %dma_start3A_160, %dma_start3A_161] : memref<2x32x64xi32, #tpu.memory_space<vmem>> -> memref<1x32x64xi32, #tpu.memory_space<vmem>>
        %dma_start3A_163 = tpu.memref_squeeze %dma_start3A_162 : memref<1x32x64xi32, #tpu.memory_space<vmem>> -> memref<32x64xi32, #tpu.memory_space<vmem>>
        %dma_start3A_164 = arith.constant 0 : i32
        %dma_start3A_165 = tpu.memref_slice %arg3[%run_scoped3A, %add3A_63, %dma_start3A_164] : memref<2x5120x64xi32, #tpu.memory_space<hbm>> -> memref<1x32x64xi32, #tpu.memory_space<hbm>>
        %dma_start3A_166 = tpu.memref_squeeze %dma_start3A_165 : memref<1x32x64xi32, #tpu.memory_space<hbm>> -> memref<32x64xi32, #tpu.memory_space<hbm>>
        %dma_start3A_167 = arith.constant 0 : i32
        %dma_start3A_168 = arith.constant 0 : i32
        %dma_start3A_169 = tpu.memref_slice %arg5[%run_scoped3A_64, %dma_start3A_167, %dma_start3A_168] : memref<2x32x64xi32, #tpu.memory_space<vmem>> -> memref<1x32x64xi32, #tpu.memory_space<vmem>>
        %dma_start3A_170 = tpu.memref_squeeze %dma_start3A_169 : memref<1x32x64xi32, #tpu.memory_space<vmem>> -> memref<32x64xi32, #tpu.memory_space<vmem>>
        %dma_start3A_171 = arith.constant 0 : i32
        %dma_start3A_172 = tpu.memref_slice %arg3[%run_scoped3A, %add3A_63, %dma_start3A_171] : memref<2x5120x64xi32, #tpu.memory_space<hbm>> -> memref<1x32x64xi32, #tpu.memory_space<hbm>>
        %dma_start3A_173 = tpu.memref_squeeze %dma_start3A_172 : memref<1x32x64xi32, #tpu.memory_space<hbm>> -> memref<32x64xi32, #tpu.memory_space<hbm>>
        tpu.enqueue_dma source(%dma_start3A_173 : memref<32x64xi32, #tpu.memory_space<hbm>>) target(%dma_start3A_170 : memref<32x64xi32, #tpu.memory_space<vmem>>) target_semaphore(%run_scoped3A_159 : memref<!tpu.dma_semaphore, #tpu.memory_space<semaphore_mem>>)
        %dma_wait3A_174 = arith.constant 0 : i32
        %dma_wait3A_175 = arith.constant 0 : i32
        %dma_wait3A_176 = tpu.memref_slice %arg5[%run_scoped3A_64, %dma_wait3A_174, %dma_wait3A_175] : memref<2x32x64xi32, #tpu.memory_space<vmem>> -> memref<1x32x64xi32, #tpu.memory_space<vmem>>
        %dma_wait3A_177 = tpu.memref_squeeze %dma_wait3A_176 : memref<1x32x64xi32, #tpu.memory_space<vmem>> -> memref<32x64xi32, #tpu.memory_space<vmem>>
        %dma_wait3A_178 = arith.constant 0 : i32
        %dma_wait3A_179 = tpu.memref_slice %arg3[%run_scoped3A, %add3A_63, %dma_wait3A_178] : memref<2x5120x64xi32, #tpu.memory_space<hbm>> -> memref<1x32x64xi32, #tpu.memory_space<hbm>>
        %dma_wait3A_180 = tpu.memref_squeeze %dma_wait3A_179 : memref<1x32x64xi32, #tpu.memory_space<hbm>> -> memref<32x64xi32, #tpu.memory_space<hbm>>
        %dma_wait3A_181 = arith.constant 0 : i32
        %dma_wait3A_182 = arith.constant 0 : i32
        %dma_wait3A_183 = tpu.memref_slice %arg5[%run_scoped3A_64, %dma_wait3A_181, %dma_wait3A_182] : memref<2x32x64xi32, #tpu.memory_space<vmem>> -> memref<1x32x64xi32, #tpu.memory_space<vmem>>
        %dma_wait3A_184 = tpu.memref_squeeze %dma_wait3A_183 : memref<1x32x64xi32, #tpu.memory_space<vmem>> -> memref<32x64xi32, #tpu.memory_space<vmem>>
        %dma_wait3A_185 = arith.constant 0 : i32
        %dma_wait3A_186 = tpu.memref_slice %arg3[%run_scoped3A, %add3A_63, %dma_wait3A_185] : memref<2x5120x64xi32, #tpu.memory_space<hbm>> -> memref<1x32x64xi32, #tpu.memory_space<hbm>>
        %dma_wait3A_187 = tpu.memref_squeeze %dma_wait3A_186 : memref<1x32x64xi32, #tpu.memory_space<hbm>> -> memref<32x64xi32, #tpu.memory_space<hbm>>
        tpu.wait_dma2 semaphore(%run_scoped3A_159 : memref<!tpu.dma_semaphore, #tpu.memory_space<semaphore_mem>>) src(%dma_wait3A_187 : memref<32x64xi32, #tpu.memory_space<hbm>>) dst(%dma_wait3A_184 : memref<32x64xi32, #tpu.memory_space<vmem>>)
        tpu.yield
      }) : () -> ()
      %run_scoped3A_65 = arith.constant 1 : i32
      %run_scoped3A_66 = arith.constant 1 : i32
      "tpu.region"() ({
        %run_scoped3A_159 = tpu.sem_alloc : memref<!tpu.dma_semaphore, #tpu.memory_space<semaphore_mem>>
        %dma_start3A_160 = arith.constant 0 : i32
        %dma_start3A_161 = arith.constant 0 : i32
        %dma_start3A_162 = tpu.memref_slice %arg5[%run_scoped3A_66, %dma_start3A_160, %dma_start3A_161] : memref<2x32x64xi32, #tpu.memory_space<vmem>> -> memref<1x32x64xi32, #tpu.memory_space<vmem>>
        %dma_start3A_163 = tpu.memref_squeeze %dma_start3A_162 : memref<1x32x64xi32, #tpu.memory_space<vmem>> -> memref<32x64xi32, #tpu.memory_space<vmem>>
        %dma_start3A_164 = arith.constant 0 : i32
        %dma_start3A_165 = tpu.memref_slice %arg3[%run_scoped3A_65, %add3A_63, %dma_start3A_164] : memref<2x5120x64xi32, #tpu.memory_space<hbm>> -> memref<1x32x64xi32, #tpu.memory_space<hbm>>
        %dma_start3A_166 = tpu.memref_squeeze %dma_start3A_165 : memref<1x32x64xi32, #tpu.memory_space<hbm>> -> memref<32x64xi32, #tpu.memory_space<hbm>>
        %dma_start3A_167 = arith.constant 0 : i32
        %dma_start3A_168 = arith.constant 0 : i32
        %dma_start3A_169 = tpu.memref_slice %arg5[%run_scoped3A_66, %dma_start3A_167, %dma_start3A_168] : memref<2x32x64xi32, #tpu.memory_space<vmem>> -> memref<1x32x64xi32, #tpu.memory_space<vmem>>
        %dma_start3A_170 = tpu.memref_squeeze %dma_start3A_169 : memref<1x32x64xi32, #tpu.memory_space<vmem>> -> memref<32x64xi32, #tpu.memory_space<vmem>>
        %dma_start3A_171 = arith.constant 0 : i32
        %dma_start3A_172 = tpu.memref_slice %arg3[%run_scoped3A_65, %add3A_63, %dma_start3A_171] : memref<2x5120x64xi32, #tpu.memory_space<hbm>> -> memref<1x32x64xi32, #tpu.memory_space<hbm>>
        %dma_start3A_173 = tpu.memref_squeeze %dma_start3A_172 : memref<1x32x64xi32, #tpu.memory_space<hbm>> -> memref<32x64xi32, #tpu.memory_space<hbm>>
        tpu.enqueue_dma source(%dma_start3A_173 : memref<32x64xi32, #tpu.memory_space<hbm>>) target(%dma_start3A_170 : memref<32x64xi32, #tpu.memory_space<vmem>>) target_semaphore(%run_scoped3A_159 : memref<!tpu.dma_semaphore, #tpu.memory_space<semaphore_mem>>)
        %dma_wait3A_174 = arith.constant 0 : i32
        %dma_wait3A_175 = arith.constant 0 : i32
        %dma_wait3A_176 = tpu.memref_slice %arg5[%run_scoped3A_66, %dma_wait3A_174, %dma_wait3A_175] : memref<2x32x64xi32, #tpu.memory_space<vmem>> -> memref<1x32x64xi32, #tpu.memory_space<vmem>>
        %dma_wait3A_177 = tpu.memref_squeeze %dma_wait3A_176 : memref<1x32x64xi32, #tpu.memory_space<vmem>> -> memref<32x64xi32, #tpu.memory_space<vmem>>
        %dma_wait3A_178 = arith.constant 0 : i32
        %dma_wait3A_179 = tpu.memref_slice %arg3[%run_scoped3A_65, %add3A_63, %dma_wait3A_178] : memref<2x5120x64xi32, #tpu.memory_space<hbm>> -> memref<1x32x64xi32, #tpu.memory_space<hbm>>
        %dma_wait3A_180 = tpu.memref_squeeze %dma_wait3A_179 : memref<1x32x64xi32, #tpu.memory_space<hbm>> -> memref<32x64xi32, #tpu.memory_space<hbm>>
        %dma_wait3A_181 = arith.constant 0 : i32
        %dma_wait3A_182 = arith.constant 0 : i32
        %dma_wait3A_183 = tpu.memref_slice %arg5[%run_scoped3A_66, %dma_wait3A_181, %dma_wait3A_182] : memref<2x32x64xi32, #tpu.memory_space<vmem>> -> memref<1x32x64xi32, #tpu.memory_space<vmem>>
        %dma_wait3A_184 = tpu.memref_squeeze %dma_wait3A_183 : memref<1x32x64xi32, #tpu.memory_space<vmem>> -> memref<32x64xi32, #tpu.memory_space<vmem>>
        %dma_wait3A_185 = arith.constant 0 : i32
        %dma_wait3A_186 = tpu.memref_slice %arg3[%run_scoped3A_65, %add3A_63, %dma_wait3A_185] : memref<2x5120x64xi32, #tpu.memory_space<hbm>> -> memref<1x32x64xi32, #tpu.memory_space<hbm>>
        %dma_wait3A_187 = tpu.memref_squeeze %dma_wait3A_186 : memref<1x32x64xi32, #tpu.memory_space<hbm>> -> memref<32x64xi32, #tpu.memory_space<hbm>>
        tpu.wait_dma2 semaphore(%run_scoped3A_159 : memref<!tpu.dma_semaphore, #tpu.memory_space<semaphore_mem>>) src(%dma_wait3A_187 : memref<32x64xi32, #tpu.memory_space<hbm>>) dst(%dma_wait3A_184 : memref<32x64xi32, #tpu.memory_space<vmem>>)
        tpu.yield
      }) : () -> ()
      %dma_start3A = arith.constant 0 : i32
      %dma_start3A_67 = arith.constant 0 : i32
      %dma_start3A_68 = arith.constant 0 : i32
      %dma_start3A_69 = tpu.memref_slice %arg5[%dma_start3A, %dma_start3A_67, %dma_start3A_68] : memref<2x32x64xi32, #tpu.memory_space<vmem>> -> memref<1x1x64xi32, #tpu.memory_space<vmem>>
      %dma_start3A_70 = tpu.memref_squeeze %dma_start3A_69 : memref<1x1x64xi32, #tpu.memory_space<vmem>> -> memref<64xi32, #tpu.memory_space<vmem>>
      %dma_start3A_71 = arith.constant 0 : i32
      %dma_start3A_72 = arith.constant 0 : i32
      %dma_start3A_73 = tpu.memref_slice %arg2[%dma_start3A_71, %dma_start3A_72] : memref<10112x128xf32, #tpu.memory_space<hbm>> -> memref<10112x128xf32, #tpu.memory_space<hbm>>
      tpu.enqueue_indirect_dma source(%dma_start3A_73 : memref<10112x128xf32, #tpu.memory_space<hbm>>) target(%arg6 : memref<64x128xf32, #tpu.memory_space<vmem>>) offsets(%dma_start3A_70 : memref<64xi32, #tpu.memory_space<vmem>>) semaphore(%arg11 : memref<!tpu.dma_semaphore, #tpu.memory_space<semaphore_mem>>)
      %dma_start3A_74 = arith.constant 0 : i32
      %dma_start3A_75 = arith.constant 1 : i32
      %dma_start3A_76 = arith.constant 0 : i32
      %dma_start3A_77 = tpu.memref_slice %arg5[%dma_start3A_74, %dma_start3A_75, %dma_start3A_76] : memref<2x32x64xi32, #tpu.memory_space<vmem>> -> memref<1x1x64xi32, #tpu.memory_space<vmem>>
      %dma_start3A_78 = tpu.memref_squeeze %dma_start3A_77 : memref<1x1x64xi32, #tpu.memory_space<vmem>> -> memref<64xi32, #tpu.memory_space<vmem>>
      %dma_start3A_79 = arith.constant 0 : i32
      %dma_start3A_80 = arith.constant 0 : i32
      %dma_start3A_81 = tpu.memref_slice %arg2[%dma_start3A_79, %dma_start3A_80] : memref<10112x128xf32, #tpu.memory_space<hbm>> -> memref<10112x128xf32, #tpu.memory_space<hbm>>
      tpu.enqueue_indirect_dma source(%dma_start3A_81 : memref<10112x128xf32, #tpu.memory_space<hbm>>) target(%arg7 : memref<64x128xf32, #tpu.memory_space<vmem>>) offsets(%dma_start3A_78 : memref<64xi32, #tpu.memory_space<vmem>>) semaphore(%arg12 : memref<!tpu.dma_semaphore, #tpu.memory_space<semaphore_mem>>)
      %dma_start3A_82 = arith.constant 0 : i32
      %dma_start3A_83 = arith.constant 2 : i32
      %dma_start3A_84 = arith.constant 0 : i32
      %dma_start3A_85 = tpu.memref_slice %arg5[%dma_start3A_82, %dma_start3A_83, %dma_start3A_84] : memref<2x32x64xi32, #tpu.memory_space<vmem>> -> memref<1x1x64xi32, #tpu.memory_space<vmem>>
      %dma_start3A_86 = tpu.memref_squeeze %dma_start3A_85 : memref<1x1x64xi32, #tpu.memory_space<vmem>> -> memref<64xi32, #tpu.memory_space<vmem>>
      %dma_start3A_87 = arith.constant 0 : i32
      %dma_start3A_88 = arith.constant 0 : i32
      %dma_start3A_89 = tpu.memref_slice %arg2[%dma_start3A_87, %dma_start3A_88] : memref<10112x128xf32, #tpu.memory_space<hbm>> -> memref<10112x128xf32, #tpu.memory_space<hbm>>
      tpu.enqueue_indirect_dma source(%dma_start3A_89 : memref<10112x128xf32, #tpu.memory_space<hbm>>) target(%arg8 : memref<64x128xf32, #tpu.memory_space<vmem>>) offsets(%dma_start3A_86 : memref<64xi32, #tpu.memory_space<vmem>>) semaphore(%arg13 : memref<!tpu.dma_semaphore, #tpu.memory_space<semaphore_mem>>)
      %scan3A_90 = arith.constant 0 : i32
      %scan3A_91 = arith.constant 0 : i32
      %scan3A_92 = arith.constant 6 : i32
      %scan3A_93 = arith.addi %scan3A_91, %scan3A_92 : i32
      %scan3A_94 = arith.constant 1 : i32
      scf.for %scan3A_159 = %scan3A_91 to %scan3A_93 step %scan3A_94  : i32 {
        %mul3A_160 = arith.constant 5 : i32
        %mul3A_161 = arith.muli %scan3A_159, %mul3A_160 : i32
        %add3A_162 = arith.constant 0 : i32
        %add3A_163 = arith.addi %mul3A_161, %add3A_162 : i32
        %ge3A = arith.constant 2 : i32
        %ge3A_164 = arith.cmpi sge, %add3A_163, %ge3A : i32
        %convert_element_type3A = arith.extui %ge3A_164 : i1 to i32
        %cond3A = arith.constant 0 : i32
        %cond3A_165 = arith.cmpi ne, %convert_element_type3A, %cond3A : i32
        scf.if %cond3A_165 {
          %dma_wait3A_306 = arith.constant 1 : i32
          %dma_wait3A_307 = arith.constant 0 : i32
          %dma_wait3A_308 = tpu.memref_slice %arg5[%dma_wait3A_306, %add3A_163, %dma_wait3A_307] : memref<2x32x64xi32, #tpu.memory_space<vmem>> -> memref<1x1x64xi32, #tpu.memory_space<vmem>>
          %dma_wait3A_309 = tpu.memref_squeeze %dma_wait3A_308 : memref<1x1x64xi32, #tpu.memory_space<vmem>> -> memref<64xi32, #tpu.memory_space<vmem>>
          %dma_wait3A_310 = arith.constant 0 : i32
          %dma_wait3A_311 = arith.constant 0 : i32
          %dma_wait3A_312 = tpu.memref_slice %arg21[%dma_wait3A_310, %dma_wait3A_311] : memref<10112x128xf32, #tpu.memory_space<vmem_shared>> -> memref<10112x128xf32, #tpu.memory_space<vmem_shared>>
          tpu.wait_indirect_dma semaphore(%arg19 : memref<!tpu.dma_semaphore, #tpu.memory_space<semaphore_mem>>) src(%arg9 : memref<64x128xf32, #tpu.memory_space<vmem>>) dst(%dma_wait3A_312 : memref<10112x128xf32, #tpu.memory_space<vmem_shared>>)
        } else {
        }
        %dma_wait3A_166 = arith.constant 0 : i32
        %dma_wait3A_167 = arith.constant 0 : i32
        %dma_wait3A_168 = tpu.memref_slice %arg5[%dma_wait3A_166, %add3A_163, %dma_wait3A_167] : memref<2x32x64xi32, #tpu.memory_space<vmem>> -> memref<1x1x64xi32, #tpu.memory_space<vmem>>
        %dma_wait3A_169 = tpu.memref_squeeze %dma_wait3A_168 : memref<1x1x64xi32, #tpu.memory_space<vmem>> -> memref<64xi32, #tpu.memory_space<vmem>>
        %dma_wait3A_170 = arith.constant 0 : i32
        %dma_wait3A_171 = arith.constant 0 : i32
        %dma_wait3A_172 = tpu.memref_slice %arg2[%dma_wait3A_170, %dma_wait3A_171] : memref<10112x128xf32, #tpu.memory_space<hbm>> -> memref<10112x128xf32, #tpu.memory_space<hbm>>
        tpu.wait_indirect_dma semaphore(%arg11 : memref<!tpu.dma_semaphore, #tpu.memory_space<semaphore_mem>>) src(%dma_wait3A_172 : memref<10112x128xf32, #tpu.memory_space<hbm>>) dst(%arg6 : memref<64x128xf32, #tpu.memory_space<vmem>>)
        %dma_start3A_173 = arith.constant 1 : i32
        %dma_start3A_174 = arith.constant 0 : i32
        %dma_start3A_175 = tpu.memref_slice %arg5[%dma_start3A_173, %add3A_163, %dma_start3A_174] : memref<2x32x64xi32, #tpu.memory_space<vmem>> -> memref<1x1x64xi32, #tpu.memory_space<vmem>>
        %dma_start3A_176 = tpu.memref_squeeze %dma_start3A_175 : memref<1x1x64xi32, #tpu.memory_space<vmem>> -> memref<64xi32, #tpu.memory_space<vmem>>
        %dma_start3A_177 = arith.constant 0 : i32
        %dma_start3A_178 = arith.constant 0 : i32
        %dma_start3A_179 = tpu.memref_slice %arg21[%dma_start3A_177, %dma_start3A_178] : memref<10112x128xf32, #tpu.memory_space<vmem_shared>> -> memref<10112x128xf32, #tpu.memory_space<vmem_shared>>
        tpu.enqueue_indirect_dma source(%arg6 : memref<64x128xf32, #tpu.memory_space<vmem>>) target(%dma_start3A_179 : memref<10112x128xf32, #tpu.memory_space<vmem_shared>>) offsets(%dma_start3A_176 : memref<64xi32, #tpu.memory_space<vmem>>) semaphore(%arg16 : memref<!tpu.dma_semaphore, #tpu.memory_space<semaphore_mem>>) {add = true}
        %add3A_180 = arith.constant 3 : i32
        %add3A_181 = arith.addi %add3A_163, %add3A_180 : i32
        %lt3A = arith.constant 32 : i32
        %lt3A_182 = arith.cmpi slt, %add3A_181, %lt3A : i32
        %convert_element_type3A_183 = arith.extui %lt3A_182 : i1 to i32
        %cond3A_184 = arith.constant 0 : i32
        %cond3A_185 = arith.cmpi ne, %convert_element_type3A_183, %cond3A_184 : i32
        scf.if %cond3A_185 {
          %add3A_306 = arith.constant 3 : i32
          %add3A_307 = arith.addi %add3A_163, %add3A_306 : i32
          %dma_start3A_308 = arith.constant 0 : i32
          %dma_start3A_309 = arith.constant 0 : i32
          %dma_start3A_310 = tpu.memref_slice %arg5[%dma_start3A_308, %add3A_307, %dma_start3A_309] : memref<2x32x64xi32, #tpu.memory_space<vmem>> -> memref<1x1x64xi32, #tpu.memory_space<vmem>>
          %dma_start3A_311 = tpu.memref_squeeze %dma_start3A_310 : memref<1x1x64xi32, #tpu.memory_space<vmem>> -> memref<64xi32, #tpu.memory_space<vmem>>
          %dma_start3A_312 = arith.constant 0 : i32
          %dma_start3A_313 = arith.constant 0 : i32
          %dma_start3A_314 = tpu.memref_slice %arg2[%dma_start3A_312, %dma_start3A_313] : memref<10112x128xf32, #tpu.memory_space<hbm>> -> memref<10112x128xf32, #tpu.memory_space<hbm>>
          tpu.enqueue_indirect_dma source(%dma_start3A_314 : memref<10112x128xf32, #tpu.memory_space<hbm>>) target(%arg9 : memref<64x128xf32, #tpu.memory_space<vmem>>) offsets(%dma_start3A_311 : memref<64xi32, #tpu.memory_space<vmem>>) semaphore(%arg14 : memref<!tpu.dma_semaphore, #tpu.memory_space<semaphore_mem>>)
        } else {
        }
        %mul3A_186 = arith.constant 5 : i32
        %mul3A_187 = arith.muli %scan3A_159, %mul3A_186 : i32
        %add3A_188 = arith.constant 1 : i32
        %add3A_189 = arith.addi %mul3A_187, %add3A_188 : i32
        %ge3A_190 = arith.constant 2 : i32
        %ge3A_191 = arith.cmpi sge, %add3A_189, %ge3A_190 : i32
        %convert_element_type3A_192 = arith.extui %ge3A_191 : i1 to i32
        %cond3A_193 = arith.constant 0 : i32
        %cond3A_194 = arith.cmpi ne, %convert_element_type3A_192, %cond3A_193 : i32
        scf.if %cond3A_194 {
          %dma_wait3A_306 = arith.constant 1 : i32
          %dma_wait3A_307 = arith.constant 0 : i32
          %dma_wait3A_308 = tpu.memref_slice %arg5[%dma_wait3A_306, %add3A_189, %dma_wait3A_307] : memref<2x32x64xi32, #tpu.memory_space<vmem>> -> memref<1x1x64xi32, #tpu.memory_space<vmem>>
          %dma_wait3A_309 = tpu.memref_squeeze %dma_wait3A_308 : memref<1x1x64xi32, #tpu.memory_space<vmem>> -> memref<64xi32, #tpu.memory_space<vmem>>
          %dma_wait3A_310 = arith.constant 0 : i32
          %dma_wait3A_311 = arith.constant 0 : i32
          %dma_wait3A_312 = tpu.memref_slice %arg21[%dma_wait3A_310, %dma_wait3A_311] : memref<10112x128xf32, #tpu.memory_space<vmem_shared>> -> memref<10112x128xf32, #tpu.memory_space<vmem_shared>>
          tpu.wait_indirect_dma semaphore(%arg20 : memref<!tpu.dma_semaphore, #tpu.memory_space<semaphore_mem>>) src(%arg10 : memref<64x128xf32, #tpu.memory_space<vmem>>) dst(%dma_wait3A_312 : memref<10112x128xf32, #tpu.memory_space<vmem_shared>>)
        } else {
        }
        %dma_wait3A_195 = arith.constant 0 : i32
        %dma_wait3A_196 = arith.constant 0 : i32
        %dma_wait3A_197 = tpu.memref_slice %arg5[%dma_wait3A_195, %add3A_189, %dma_wait3A_196] : memref<2x32x64xi32, #tpu.memory_space<vmem>> -> memref<1x1x64xi32, #tpu.memory_space<vmem>>
        %dma_wait3A_198 = tpu.memref_squeeze %dma_wait3A_197 : memref<1x1x64xi32, #tpu.memory_space<vmem>> -> memref<64xi32, #tpu.memory_space<vmem>>
        %dma_wait3A_199 = arith.constant 0 : i32
        %dma_wait3A_200 = arith.constant 0 : i32
        %dma_wait3A_201 = tpu.memref_slice %arg2[%dma_wait3A_199, %dma_wait3A_200] : memref<10112x128xf32, #tpu.memory_space<hbm>> -> memref<10112x128xf32, #tpu.memory_space<hbm>>
        tpu.wait_indirect_dma semaphore(%arg12 : memref<!tpu.dma_semaphore, #tpu.memory_space<semaphore_mem>>) src(%dma_wait3A_201 : memref<10112x128xf32, #tpu.memory_space<hbm>>) dst(%arg7 : memref<64x128xf32, #tpu.memory_space<vmem>>)
        %dma_start3A_202 = arith.constant 1 : i32
        %dma_start3A_203 = arith.constant 0 : i32
        %dma_start3A_204 = tpu.memref_slice %arg5[%dma_start3A_202, %add3A_189, %dma_start3A_203] : memref<2x32x64xi32, #tpu.memory_space<vmem>> -> memref<1x1x64xi32, #tpu.memory_space<vmem>>
        %dma_start3A_205 = tpu.memref_squeeze %dma_start3A_204 : memref<1x1x64xi32, #tpu.memory_space<vmem>> -> memref<64xi32, #tpu.memory_space<vmem>>
        %dma_start3A_206 = arith.constant 0 : i32
        %dma_start3A_207 = arith.constant 0 : i32
        %dma_start3A_208 = tpu.memref_slice %arg21[%dma_start3A_206, %dma_start3A_207] : memref<10112x128xf32, #tpu.memory_space<vmem_shared>> -> memref<10112x128xf32, #tpu.memory_space<vmem_shared>>
        tpu.enqueue_indirect_dma source(%arg7 : memref<64x128xf32, #tpu.memory_space<vmem>>) target(%dma_start3A_208 : memref<10112x128xf32, #tpu.memory_space<vmem_shared>>) offsets(%dma_start3A_205 : memref<64xi32, #tpu.memory_space<vmem>>) semaphore(%arg17 : memref<!tpu.dma_semaphore, #tpu.memory_space<semaphore_mem>>) {add = true}
        %add3A_209 = arith.constant 3 : i32
        %add3A_210 = arith.addi %add3A_189, %add3A_209 : i32
        %lt3A_211 = arith.constant 32 : i32
        %lt3A_212 = arith.cmpi slt, %add3A_210, %lt3A_211 : i32
        %convert_element_type3A_213 = arith.extui %lt3A_212 : i1 to i32
        %cond3A_214 = arith.constant 0 : i32
        %cond3A_215 = arith.cmpi ne, %convert_element_type3A_213, %cond3A_214 : i32
        scf.if %cond3A_215 {
          %add3A_306 = arith.constant 3 : i32
          %add3A_307 = arith.addi %add3A_189, %add3A_306 : i32
          %dma_start3A_308 = arith.constant 0 : i32
          %dma_start3A_309 = arith.constant 0 : i32
          %dma_start3A_310 = tpu.memref_slice %arg5[%dma_start3A_308, %add3A_307, %dma_start3A_309] : memref<2x32x64xi32, #tpu.memory_space<vmem>> -> memref<1x1x64xi32, #tpu.memory_space<vmem>>
          %dma_start3A_311 = tpu.memref_squeeze %dma_start3A_310 : memref<1x1x64xi32, #tpu.memory_space<vmem>> -> memref<64xi32, #tpu.memory_space<vmem>>
          %dma_start3A_312 = arith.constant 0 : i32
          %dma_start3A_313 = arith.constant 0 : i32
          %dma_start3A_314 = tpu.memref_slice %arg2[%dma_start3A_312, %dma_start3A_313] : memref<10112x128xf32, #tpu.memory_space<hbm>> -> memref<10112x128xf32, #tpu.memory_space<hbm>>
          tpu.enqueue_indirect_dma source(%dma_start3A_314 : memref<10112x128xf32, #tpu.memory_space<hbm>>) target(%arg10 : memref<64x128xf32, #tpu.memory_space<vmem>>) offsets(%dma_start3A_311 : memref<64xi32, #tpu.memory_space<vmem>>) semaphore(%arg15 : memref<!tpu.dma_semaphore, #tpu.memory_space<semaphore_mem>>)
        } else {
        }
        %mul3A_216 = arith.constant 5 : i32
        %mul3A_217 = arith.muli %scan3A_159, %mul3A_216 : i32
        %add3A_218 = arith.constant 2 : i32
        %add3A_219 = arith.addi %mul3A_217, %add3A_218 : i32
        %ge3A_220 = arith.constant 2 : i32
        %ge3A_221 = arith.cmpi sge, %add3A_219, %ge3A_220 : i32
        %convert_element_type3A_222 = arith.extui %ge3A_221 : i1 to i32
        %cond3A_223 = arith.constant 0 : i32
        %cond3A_224 = arith.cmpi ne, %convert_element_type3A_222, %cond3A_223 : i32
        scf.if %cond3A_224 {
          %dma_wait3A_306 = arith.constant 1 : i32
          %dma_wait3A_307 = arith.constant 0 : i32
          %dma_wait3A_308 = tpu.memref_slice %arg5[%dma_wait3A_306, %add3A_219, %dma_wait3A_307] : memref<2x32x64xi32, #tpu.memory_space<vmem>> -> memref<1x1x64xi32, #tpu.memory_space<vmem>>
          %dma_wait3A_309 = tpu.memref_squeeze %dma_wait3A_308 : memref<1x1x64xi32, #tpu.memory_space<vmem>> -> memref<64xi32, #tpu.memory_space<vmem>>
          %dma_wait3A_310 = arith.constant 0 : i32
          %dma_wait3A_311 = arith.constant 0 : i32
          %dma_wait3A_312 = tpu.memref_slice %arg21[%dma_wait3A_310, %dma_wait3A_311] : memref<10112x128xf32, #tpu.memory_space<vmem_shared>> -> memref<10112x128xf32, #tpu.memory_space<vmem_shared>>
          tpu.wait_indirect_dma semaphore(%arg16 : memref<!tpu.dma_semaphore, #tpu.memory_space<semaphore_mem>>) src(%arg6 : memref<64x128xf32, #tpu.memory_space<vmem>>) dst(%dma_wait3A_312 : memref<10112x128xf32, #tpu.memory_space<vmem_shared>>)
        } else {
        }
        %dma_wait3A_225 = arith.constant 0 : i32
        %dma_wait3A_226 = arith.constant 0 : i32
        %dma_wait3A_227 = tpu.memref_slice %arg5[%dma_wait3A_225, %add3A_219, %dma_wait3A_226] : memref<2x32x64xi32, #tpu.memory_space<vmem>> -> memref<1x1x64xi32, #tpu.memory_space<vmem>>
        %dma_wait3A_228 = tpu.memref_squeeze %dma_wait3A_227 : memref<1x1x64xi32, #tpu.memory_space<vmem>> -> memref<64xi32, #tpu.memory_space<vmem>>
        %dma_wait3A_229 = arith.constant 0 : i32
        %dma_wait3A_230 = arith.constant 0 : i32
        %dma_wait3A_231 = tpu.memref_slice %arg2[%dma_wait3A_229, %dma_wait3A_230] : memref<10112x128xf32, #tpu.memory_space<hbm>> -> memref<10112x128xf32, #tpu.memory_space<hbm>>
        tpu.wait_indirect_dma semaphore(%arg13 : memref<!tpu.dma_semaphore, #tpu.memory_space<semaphore_mem>>) src(%dma_wait3A_231 : memref<10112x128xf32, #tpu.memory_space<hbm>>) dst(%arg8 : memref<64x128xf32, #tpu.memory_space<vmem>>)
        %dma_start3A_232 = arith.constant 1 : i32
        %dma_start3A_233 = arith.constant 0 : i32
        %dma_start3A_234 = tpu.memref_slice %arg5[%dma_start3A_232, %add3A_219, %dma_start3A_233] : memref<2x32x64xi32, #tpu.memory_space<vmem>> -> memref<1x1x64xi32, #tpu.memory_space<vmem>>
        %dma_start3A_235 = tpu.memref_squeeze %dma_start3A_234 : memref<1x1x64xi32, #tpu.memory_space<vmem>> -> memref<64xi32, #tpu.memory_space<vmem>>
        %dma_start3A_236 = arith.constant 0 : i32
        %dma_start3A_237 = arith.constant 0 : i32
        %dma_start3A_238 = tpu.memref_slice %arg21[%dma_start3A_236, %dma_start3A_237] : memref<10112x128xf32, #tpu.memory_space<vmem_shared>> -> memref<10112x128xf32, #tpu.memory_space<vmem_shared>>
        tpu.enqueue_indirect_dma source(%arg8 : memref<64x128xf32, #tpu.memory_space<vmem>>) target(%dma_start3A_238 : memref<10112x128xf32, #tpu.memory_space<vmem_shared>>) offsets(%dma_start3A_235 : memref<64xi32, #tpu.memory_space<vmem>>) semaphore(%arg18 : memref<!tpu.dma_semaphore, #tpu.memory_space<semaphore_mem>>) {add = true}
        %add3A_239 = arith.constant 3 : i32
        %add3A_240 = arith.addi %add3A_219, %add3A_239 : i32
        %lt3A_241 = arith.constant 32 : i32
        %lt3A_242 = arith.cmpi slt, %add3A_240, %lt3A_241 : i32
        %convert_element_type3A_243 = arith.extui %lt3A_242 : i1 to i32
        %cond3A_244 = arith.constant 0 : i32
        %cond3A_245 = arith.cmpi ne, %convert_element_type3A_243, %cond3A_244 : i32
        scf.if %cond3A_245 {
          %add3A_306 = arith.constant 3 : i32
          %add3A_307 = arith.addi %add3A_219, %add3A_306 : i32
          %dma_start3A_308 = arith.constant 0 : i32
          %dma_start3A_309 = arith.constant 0 : i32
          %dma_start3A_310 = tpu.memref_slice %arg5[%dma_start3A_308, %add3A_307, %dma_start3A_309] : memref<2x32x64xi32, #tpu.memory_space<vmem>> -> memref<1x1x64xi32, #tpu.memory_space<vmem>>
          %dma_start3A_311 = tpu.memref_squeeze %dma_start3A_310 : memref<1x1x64xi32, #tpu.memory_space<vmem>> -> memref<64xi32, #tpu.memory_space<vmem>>
          %dma_start3A_312 = arith.constant 0 : i32
          %dma_start3A_313 = arith.constant 0 : i32
          %dma_start3A_314 = tpu.memref_slice %arg2[%dma_start3A_312, %dma_start3A_313] : memref<10112x128xf32, #tpu.memory_space<hbm>> -> memref<10112x128xf32, #tpu.memory_space<hbm>>
          tpu.enqueue_indirect_dma source(%dma_start3A_314 : memref<10112x128xf32, #tpu.memory_space<hbm>>) target(%arg6 : memref<64x128xf32, #tpu.memory_space<vmem>>) offsets(%dma_start3A_311 : memref<64xi32, #tpu.memory_space<vmem>>) semaphore(%arg11 : memref<!tpu.dma_semaphore, #tpu.memory_space<semaphore_mem>>)
        } else {
        }
        %mul3A_246 = arith.constant 5 : i32
        %mul3A_247 = arith.muli %scan3A_159, %mul3A_246 : i32
        %add3A_248 = arith.constant 3 : i32
        %add3A_249 = arith.addi %mul3A_247, %add3A_248 : i32
        %ge3A_250 = arith.constant 2 : i32
        %ge3A_251 = arith.cmpi sge, %add3A_249, %ge3A_250 : i32
        %convert_element_type3A_252 = arith.extui %ge3A_251 : i1 to i32
        %cond3A_253 = arith.constant 0 : i32
        %cond3A_254 = arith.cmpi ne, %convert_element_type3A_252, %cond3A_253 : i32
        scf.if %cond3A_254 {
          %dma_wait3A_306 = arith.constant 1 : i32
          %dma_wait3A_307 = arith.constant 0 : i32
          %dma_wait3A_308 = tpu.memref_slice %arg5[%dma_wait3A_306, %add3A_249, %dma_wait3A_307] : memref<2x32x64xi32, #tpu.memory_space<vmem>> -> memref<1x1x64xi32, #tpu.memory_space<vmem>>
          %dma_wait3A_309 = tpu.memref_squeeze %dma_wait3A_308 : memref<1x1x64xi32, #tpu.memory_space<vmem>> -> memref<64xi32, #tpu.memory_space<vmem>>
          %dma_wait3A_310 = arith.constant 0 : i32
          %dma_wait3A_311 = arith.constant 0 : i32
          %dma_wait3A_312 = tpu.memref_slice %arg21[%dma_wait3A_310, %dma_wait3A_311] : memref<10112x128xf32, #tpu.memory_space<vmem_shared>> -> memref<10112x128xf32, #tpu.memory_space<vmem_shared>>
          tpu.wait_indirect_dma semaphore(%arg17 : memref<!tpu.dma_semaphore, #tpu.memory_space<semaphore_mem>>) src(%arg7 : memref<64x128xf32, #tpu.memory_space<vmem>>) dst(%dma_wait3A_312 : memref<10112x128xf32, #tpu.memory_space<vmem_shared>>)
        } else {
        }
        %dma_wait3A_255 = arith.constant 0 : i32
        %dma_wait3A_256 = arith.constant 0 : i32
        %dma_wait3A_257 = tpu.memref_slice %arg5[%dma_wait3A_255, %add3A_249, %dma_wait3A_256] : memref<2x32x64xi32, #tpu.memory_space<vmem>> -> memref<1x1x64xi32, #tpu.memory_space<vmem>>
        %dma_wait3A_258 = tpu.memref_squeeze %dma_wait3A_257 : memref<1x1x64xi32, #tpu.memory_space<vmem>> -> memref<64xi32, #tpu.memory_space<vmem>>
        %dma_wait3A_259 = arith.constant 0 : i32
        %dma_wait3A_260 = arith.constant 0 : i32
        %dma_wait3A_261 = tpu.memref_slice %arg2[%dma_wait3A_259, %dma_wait3A_260] : memref<10112x128xf32, #tpu.memory_space<hbm>> -> memref<10112x128xf32, #tpu.memory_space<hbm>>
        tpu.wait_indirect_dma semaphore(%arg14 : memref<!tpu.dma_semaphore, #tpu.memory_space<semaphore_mem>>) src(%dma_wait3A_261 : memref<10112x128xf32, #tpu.memory_space<hbm>>) dst(%arg9 : memref<64x128xf32, #tpu.memory_space<vmem>>)
        %dma_start3A_262 = arith.constant 1 : i32
        %dma_start3A_263 = arith.constant 0 : i32
        %dma_start3A_264 = tpu.memref_slice %arg5[%dma_start3A_262, %add3A_249, %dma_start3A_263] : memref<2x32x64xi32, #tpu.memory_space<vmem>> -> memref<1x1x64xi32, #tpu.memory_space<vmem>>
        %dma_start3A_265 = tpu.memref_squeeze %dma_start3A_264 : memref<1x1x64xi32, #tpu.memory_space<vmem>> -> memref<64xi32, #tpu.memory_space<vmem>>
        %dma_start3A_266 = arith.constant 0 : i32
        %dma_start3A_267 = arith.constant 0 : i32
        %dma_start3A_268 = tpu.memref_slice %arg21[%dma_start3A_266, %dma_start3A_267] : memref<10112x128xf32, #tpu.memory_space<vmem_shared>> -> memref<10112x128xf32, #tpu.memory_space<vmem_shared>>
        tpu.enqueue_indirect_dma source(%arg9 : memref<64x128xf32, #tpu.memory_space<vmem>>) target(%dma_start3A_268 : memref<10112x128xf32, #tpu.memory_space<vmem_shared>>) offsets(%dma_start3A_265 : memref<64xi32, #tpu.memory_space<vmem>>) semaphore(%arg19 : memref<!tpu.dma_semaphore, #tpu.memory_space<semaphore_mem>>) {add = true}
        %add3A_269 = arith.constant 3 : i32
        %add3A_270 = arith.addi %add3A_249, %add3A_269 : i32
        %lt3A_271 = arith.constant 32 : i32
        %lt3A_272 = arith.cmpi slt, %add3A_270, %lt3A_271 : i32
        %convert_element_type3A_273 = arith.extui %lt3A_272 : i1 to i32
        %cond3A_274 = arith.constant 0 : i32
        %cond3A_275 = arith.cmpi ne, %convert_element_type3A_273, %cond3A_274 : i32
        scf.if %cond3A_275 {
          %add3A_306 = arith.constant 3 : i32
          %add3A_307 = arith.addi %add3A_249, %add3A_306 : i32
          %dma_start3A_308 = arith.constant 0 : i32
          %dma_start3A_309 = arith.constant 0 : i32
          %dma_start3A_310 = tpu.memref_slice %arg5[%dma_start3A_308, %add3A_307, %dma_start3A_309] : memref<2x32x64xi32, #tpu.memory_space<vmem>> -> memref<1x1x64xi32, #tpu.memory_space<vmem>>
          %dma_start3A_311 = tpu.memref_squeeze %dma_start3A_310 : memref<1x1x64xi32, #tpu.memory_space<vmem>> -> memref<64xi32, #tpu.memory_space<vmem>>
          %dma_start3A_312 = arith.constant 0 : i32
          %dma_start3A_313 = arith.constant 0 : i32
          %dma_start3A_314 = tpu.memref_slice %arg2[%dma_start3A_312, %dma_start3A_313] : memref<10112x128xf32, #tpu.memory_space<hbm>> -> memref<10112x128xf32, #tpu.memory_space<hbm>>
          tpu.enqueue_indirect_dma source(%dma_start3A_314 : memref<10112x128xf32, #tpu.memory_space<hbm>>) target(%arg7 : memref<64x128xf32, #tpu.memory_space<vmem>>) offsets(%dma_start3A_311 : memref<64xi32, #tpu.memory_space<vmem>>) semaphore(%arg12 : memref<!tpu.dma_semaphore, #tpu.memory_space<semaphore_mem>>)
        } else {
        }
        %mul3A_276 = arith.constant 5 : i32
        %mul3A_277 = arith.muli %scan3A_159, %mul3A_276 : i32
        %add3A_278 = arith.constant 4 : i32
        %add3A_279 = arith.addi %mul3A_277, %add3A_278 : i32
        %ge3A_280 = arith.constant 2 : i32
        %ge3A_281 = arith.cmpi sge, %add3A_279, %ge3A_280 : i32
        %convert_element_type3A_282 = arith.extui %ge3A_281 : i1 to i32
        %cond3A_283 = arith.constant 0 : i32
        %cond3A_284 = arith.cmpi ne, %convert_element_type3A_282, %cond3A_283 : i32
        scf.if %cond3A_284 {
          %dma_wait3A_306 = arith.constant 1 : i32
          %dma_wait3A_307 = arith.constant 0 : i32
          %dma_wait3A_308 = tpu.memref_slice %arg5[%dma_wait3A_306, %add3A_279, %dma_wait3A_307] : memref<2x32x64xi32, #tpu.memory_space<vmem>> -> memref<1x1x64xi32, #tpu.memory_space<vmem>>
          %dma_wait3A_309 = tpu.memref_squeeze %dma_wait3A_308 : memref<1x1x64xi32, #tpu.memory_space<vmem>> -> memref<64xi32, #tpu.memory_space<vmem>>
          %dma_wait3A_310 = arith.constant 0 : i32
          %dma_wait3A_311 = arith.constant 0 : i32
          %dma_wait3A_312 = tpu.memref_slice %arg21[%dma_wait3A_310, %dma_wait3A_311] : memref<10112x128xf32, #tpu.memory_space<vmem_shared>> -> memref<10112x128xf32, #tpu.memory_space<vmem_shared>>
          tpu.wait_indirect_dma semaphore(%arg18 : memref<!tpu.dma_semaphore, #tpu.memory_space<semaphore_mem>>) src(%arg8 : memref<64x128xf32, #tpu.memory_space<vmem>>) dst(%dma_wait3A_312 : memref<10112x128xf32, #tpu.memory_space<vmem_shared>>)
        } else {
        }
        %dma_wait3A_285 = arith.constant 0 : i32
        %dma_wait3A_286 = arith.constant 0 : i32
        %dma_wait3A_287 = tpu.memref_slice %arg5[%dma_wait3A_285, %add3A_279, %dma_wait3A_286] : memref<2x32x64xi32, #tpu.memory_space<vmem>> -> memref<1x1x64xi32, #tpu.memory_space<vmem>>
        %dma_wait3A_288 = tpu.memref_squeeze %dma_wait3A_287 : memref<1x1x64xi32, #tpu.memory_space<vmem>> -> memref<64xi32, #tpu.memory_space<vmem>>
        %dma_wait3A_289 = arith.constant 0 : i32
        %dma_wait3A_290 = arith.constant 0 : i32
        %dma_wait3A_291 = tpu.memref_slice %arg2[%dma_wait3A_289, %dma_wait3A_290] : memref<10112x128xf32, #tpu.memory_space<hbm>> -> memref<10112x128xf32, #tpu.memory_space<hbm>>
        tpu.wait_indirect_dma semaphore(%arg15 : memref<!tpu.dma_semaphore, #tpu.memory_space<semaphore_mem>>) src(%dma_wait3A_291 : memref<10112x128xf32, #tpu.memory_space<hbm>>) dst(%arg10 : memref<64x128xf32, #tpu.memory_space<vmem>>)
        %dma_start3A_292 = arith.constant 1 : i32
        %dma_start3A_293 = arith.constant 0 : i32
        %dma_start3A_294 = tpu.memref_slice %arg5[%dma_start3A_292, %add3A_279, %dma_start3A_293] : memref<2x32x64xi32, #tpu.memory_space<vmem>> -> memref<1x1x64xi32, #tpu.memory_space<vmem>>
        %dma_start3A_295 = tpu.memref_squeeze %dma_start3A_294 : memref<1x1x64xi32, #tpu.memory_space<vmem>> -> memref<64xi32, #tpu.memory_space<vmem>>
        %dma_start3A_296 = arith.constant 0 : i32
        %dma_start3A_297 = arith.constant 0 : i32
        %dma_start3A_298 = tpu.memref_slice %arg21[%dma_start3A_296, %dma_start3A_297] : memref<10112x128xf32, #tpu.memory_space<vmem_shared>> -> memref<10112x128xf32, #tpu.memory_space<vmem_shared>>
        tpu.enqueue_indirect_dma source(%arg10 : memref<64x128xf32, #tpu.memory_space<vmem>>) target(%dma_start3A_298 : memref<10112x128xf32, #tpu.memory_space<vmem_shared>>) offsets(%dma_start3A_295 : memref<64xi32, #tpu.memory_space<vmem>>) semaphore(%arg20 : memref<!tpu.dma_semaphore, #tpu.memory_space<semaphore_mem>>) {add = true}
        %add3A_299 = arith.constant 3 : i32
        %add3A_300 = arith.addi %add3A_279, %add3A_299 : i32
        %lt3A_301 = arith.constant 32 : i32
        %lt3A_302 = arith.cmpi slt, %add3A_300, %lt3A_301 : i32
        %convert_element_type3A_303 = arith.extui %lt3A_302 : i1 to i32
        %cond3A_304 = arith.constant 0 : i32
        %cond3A_305 = arith.cmpi ne, %convert_element_type3A_303, %cond3A_304 : i32
        scf.if %cond3A_305 {
          %add3A_306 = arith.constant 3 : i32
          %add3A_307 = arith.addi %add3A_279, %add3A_306 : i32
          %dma_start3A_308 = arith.constant 0 : i32
          %dma_start3A_309 = arith.constant 0 : i32
          %dma_start3A_310 = tpu.memref_slice %arg5[%dma_start3A_308, %add3A_307, %dma_start3A_309] : memref<2x32x64xi32, #tpu.memory_space<vmem>> -> memref<1x1x64xi32, #tpu.memory_space<vmem>>
          %dma_start3A_311 = tpu.memref_squeeze %dma_start3A_310 : memref<1x1x64xi32, #tpu.memory_space<vmem>> -> memref<64xi32, #tpu.memory_space<vmem>>
          %dma_start3A_312 = arith.constant 0 : i32
          %dma_start3A_313 = arith.constant 0 : i32
          %dma_start3A_314 = tpu.memref_slice %arg2[%dma_start3A_312, %dma_start3A_313] : memref<10112x128xf32, #tpu.memory_space<hbm>> -> memref<10112x128xf32, #tpu.memory_space<hbm>>
          tpu.enqueue_indirect_dma source(%dma_start3A_314 : memref<10112x128xf32, #tpu.memory_space<hbm>>) target(%arg8 : memref<64x128xf32, #tpu.memory_space<vmem>>) offsets(%dma_start3A_311 : memref<64xi32, #tpu.memory_space<vmem>>) semaphore(%arg13 : memref<!tpu.dma_semaphore, #tpu.memory_space<semaphore_mem>>)
        } else {
        }
      }
      %scan3A_95 = arith.constant 6 : i32
      %dma_wait3A = arith.constant 1 : i32
      %dma_wait3A_96 = arith.constant 30 : i32
      %dma_wait3A_97 = arith.constant 0 : i32
      %dma_wait3A_98 = tpu.memref_slice %arg5[%dma_wait3A, %dma_wait3A_96, %dma_wait3A_97] : memref<2x32x64xi32, #tpu.memory_space<vmem>> -> memref<1x1x64xi32, #tpu.memory_space<vmem>>
      %dma_wait3A_99 = tpu.memref_squeeze %dma_wait3A_98 : memref<1x1x64xi32, #tpu.memory_space<vmem>> -> memref<64xi32, #tpu.memory_space<vmem>>
      %dma_wait3A_100 = arith.constant 0 : i32
      %dma_wait3A_101 = arith.constant 0 : i32
      %dma_wait3A_102 = tpu.memref_slice %arg21[%dma_wait3A_100, %dma_wait3A_101] : memref<10112x128xf32, #tpu.memory_space<vmem_shared>> -> memref<10112x128xf32, #tpu.memory_space<vmem_shared>>
      tpu.wait_indirect_dma semaphore(%arg19 : memref<!tpu.dma_semaphore, #tpu.memory_space<semaphore_mem>>) src(%arg9 : memref<64x128xf32, #tpu.memory_space<vmem>>) dst(%dma_wait3A_102 : memref<10112x128xf32, #tpu.memory_space<vmem_shared>>)
      %dma_wait3A_103 = arith.constant 0 : i32
      %dma_wait3A_104 = arith.constant 30 : i32
      %dma_wait3A_105 = arith.constant 0 : i32
      %dma_wait3A_106 = tpu.memref_slice %arg5[%dma_wait3A_103, %dma_wait3A_104, %dma_wait3A_105] : memref<2x32x64xi32, #tpu.memory_space<vmem>> -> memref<1x1x64xi32, #tpu.memory_space<vmem>>
      %dma_wait3A_107 = tpu.memref_squeeze %dma_wait3A_106 : memref<1x1x64xi32, #tpu.memory_space<vmem>> -> memref<64xi32, #tpu.memory_space<vmem>>
      %dma_wait3A_108 = arith.constant 0 : i32
      %dma_wait3A_109 = arith.constant 0 : i32
      %dma_wait3A_110 = tpu.memref_slice %arg2[%dma_wait3A_108, %dma_wait3A_109] : memref<10112x128xf32, #tpu.memory_space<hbm>> -> memref<10112x128xf32, #tpu.memory_space<hbm>>
      tpu.wait_indirect_dma semaphore(%arg11 : memref<!tpu.dma_semaphore, #tpu.memory_space<semaphore_mem>>) src(%dma_wait3A_110 : memref<10112x128xf32, #tpu.memory_space<hbm>>) dst(%arg6 : memref<64x128xf32, #tpu.memory_space<vmem>>)
      %dma_start3A_111 = arith.constant 1 : i32
      %dma_start3A_112 = arith.constant 30 : i32
      %dma_start3A_113 = arith.constant 0 : i32
      %dma_start3A_114 = tpu.memref_slice %arg5[%dma_start3A_111, %dma_start3A_112, %dma_start3A_113] : memref<2x32x64xi32, #tpu.memory_space<vmem>> -> memref<1x1x64xi32, #tpu.memory_space<vmem>>
      %dma_start3A_115 = tpu.memref_squeeze %dma_start3A_114 : memref<1x1x64xi32, #tpu.memory_space<vmem>> -> memref<64xi32, #tpu.memory_space<vmem>>
      %dma_start3A_116 = arith.constant 0 : i32
      %dma_start3A_117 = arith.constant 0 : i32
      %dma_start3A_118 = tpu.memref_slice %arg21[%dma_start3A_116, %dma_start3A_117] : memref<10112x128xf32, #tpu.memory_space<vmem_shared>> -> memref<10112x128xf32, #tpu.memory_space<vmem_shared>>
      tpu.enqueue_indirect_dma source(%arg6 : memref<64x128xf32, #tpu.memory_space<vmem>>) target(%dma_start3A_118 : memref<10112x128xf32, #tpu.memory_space<vmem_shared>>) offsets(%dma_start3A_115 : memref<64xi32, #tpu.memory_space<vmem>>) semaphore(%arg16 : memref<!tpu.dma_semaphore, #tpu.memory_space<semaphore_mem>>) {add = true}
      %dma_wait3A_119 = arith.constant 1 : i32
      %dma_wait3A_120 = arith.constant 31 : i32
      %dma_wait3A_121 = arith.constant 0 : i32
      %dma_wait3A_122 = tpu.memref_slice %arg5[%dma_wait3A_119, %dma_wait3A_120, %dma_wait3A_121] : memref<2x32x64xi32, #tpu.memory_space<vmem>> -> memref<1x1x64xi32, #tpu.memory_space<vmem>>
      %dma_wait3A_123 = tpu.memref_squeeze %dma_wait3A_122 : memref<1x1x64xi32, #tpu.memory_space<vmem>> -> memref<64xi32, #tpu.memory_space<vmem>>
      %dma_wait3A_124 = arith.constant 0 : i32
      %dma_wait3A_125 = arith.constant 0 : i32
      %dma_wait3A_126 = tpu.memref_slice %arg21[%dma_wait3A_124, %dma_wait3A_125] : memref<10112x128xf32, #tpu.memory_space<vmem_shared>> -> memref<10112x128xf32, #tpu.memory_space<vmem_shared>>
      tpu.wait_indirect_dma semaphore(%arg20 : memref<!tpu.dma_semaphore, #tpu.memory_space<semaphore_mem>>) src(%arg10 : memref<64x128xf32, #tpu.memory_space<vmem>>) dst(%dma_wait3A_126 : memref<10112x128xf32, #tpu.memory_space<vmem_shared>>)
      %dma_wait3A_127 = arith.constant 0 : i32
      %dma_wait3A_128 = arith.constant 31 : i32
      %dma_wait3A_129 = arith.constant 0 : i32
      %dma_wait3A_130 = tpu.memref_slice %arg5[%dma_wait3A_127, %dma_wait3A_128, %dma_wait3A_129] : memref<2x32x64xi32, #tpu.memory_space<vmem>> -> memref<1x1x64xi32, #tpu.memory_space<vmem>>
      %dma_wait3A_131 = tpu.memref_squeeze %dma_wait3A_130 : memref<1x1x64xi32, #tpu.memory_space<vmem>> -> memref<64xi32, #tpu.memory_space<vmem>>
      %dma_wait3A_132 = arith.constant 0 : i32
      %dma_wait3A_133 = arith.constant 0 : i32
      %dma_wait3A_134 = tpu.memref_slice %arg2[%dma_wait3A_132, %dma_wait3A_133] : memref<10112x128xf32, #tpu.memory_space<hbm>> -> memref<10112x128xf32, #tpu.memory_space<hbm>>
      tpu.wait_indirect_dma semaphore(%arg12 : memref<!tpu.dma_semaphore, #tpu.memory_space<semaphore_mem>>) src(%dma_wait3A_134 : memref<10112x128xf32, #tpu.memory_space<hbm>>) dst(%arg7 : memref<64x128xf32, #tpu.memory_space<vmem>>)
      %dma_start3A_135 = arith.constant 1 : i32
      %dma_start3A_136 = arith.constant 31 : i32
      %dma_start3A_137 = arith.constant 0 : i32
      %dma_start3A_138 = tpu.memref_slice %arg5[%dma_start3A_135, %dma_start3A_136, %dma_start3A_137] : memref<2x32x64xi32, #tpu.memory_space<vmem>> -> memref<1x1x64xi32, #tpu.memory_space<vmem>>
      %dma_start3A_139 = tpu.memref_squeeze %dma_start3A_138 : memref<1x1x64xi32, #tpu.memory_space<vmem>> -> memref<64xi32, #tpu.memory_space<vmem>>
      %dma_start3A_140 = arith.constant 0 : i32
      %dma_start3A_141 = arith.constant 0 : i32
      %dma_start3A_142 = tpu.memref_slice %arg21[%dma_start3A_140, %dma_start3A_141] : memref<10112x128xf32, #tpu.memory_space<vmem_shared>> -> memref<10112x128xf32, #tpu.memory_space<vmem_shared>>
      tpu.enqueue_indirect_dma source(%arg7 : memref<64x128xf32, #tpu.memory_space<vmem>>) target(%dma_start3A_142 : memref<10112x128xf32, #tpu.memory_space<vmem_shared>>) offsets(%dma_start3A_139 : memref<64xi32, #tpu.memory_space<vmem>>) semaphore(%arg17 : memref<!tpu.dma_semaphore, #tpu.memory_space<semaphore_mem>>) {add = true}
      %dma_wait3A_143 = arith.constant 1 : i32
      %dma_wait3A_144 = arith.constant 30 : i32
      %dma_wait3A_145 = arith.constant 0 : i32
      %dma_wait3A_146 = tpu.memref_slice %arg5[%dma_wait3A_143, %dma_wait3A_144, %dma_wait3A_145] : memref<2x32x64xi32, #tpu.memory_space<vmem>> -> memref<1x1x64xi32, #tpu.memory_space<vmem>>
      %dma_wait3A_147 = tpu.memref_squeeze %dma_wait3A_146 : memref<1x1x64xi32, #tpu.memory_space<vmem>> -> memref<64xi32, #tpu.memory_space<vmem>>
      %dma_wait3A_148 = arith.constant 0 : i32
      %dma_wait3A_149 = arith.constant 0 : i32
      %dma_wait3A_150 = tpu.memref_slice %arg21[%dma_wait3A_148, %dma_wait3A_149] : memref<10112x128xf32, #tpu.memory_space<vmem_shared>> -> memref<10112x128xf32, #tpu.memory_space<vmem_shared>>
      tpu.wait_indirect_dma semaphore(%arg16 : memref<!tpu.dma_semaphore, #tpu.memory_space<semaphore_mem>>) src(%arg6 : memref<64x128xf32, #tpu.memory_space<vmem>>) dst(%dma_wait3A_150 : memref<10112x128xf32, #tpu.memory_space<vmem_shared>>)
      %dma_wait3A_151 = arith.constant 1 : i32
      %dma_wait3A_152 = arith.constant 31 : i32
      %dma_wait3A_153 = arith.constant 0 : i32
      %dma_wait3A_154 = tpu.memref_slice %arg5[%dma_wait3A_151, %dma_wait3A_152, %dma_wait3A_153] : memref<2x32x64xi32, #tpu.memory_space<vmem>> -> memref<1x1x64xi32, #tpu.memory_space<vmem>>
      %dma_wait3A_155 = tpu.memref_squeeze %dma_wait3A_154 : memref<1x1x64xi32, #tpu.memory_space<vmem>> -> memref<64xi32, #tpu.memory_space<vmem>>
      %dma_wait3A_156 = arith.constant 0 : i32
      %dma_wait3A_157 = arith.constant 0 : i32
      %dma_wait3A_158 = tpu.memref_slice %arg21[%dma_wait3A_156, %dma_wait3A_157] : memref<10112x128xf32, #tpu.memory_space<vmem_shared>> -> memref<10112x128xf32, #tpu.memory_space<vmem_shared>>
      tpu.wait_indirect_dma semaphore(%arg17 : memref<!tpu.dma_semaphore, #tpu.memory_space<semaphore_mem>>) src(%arg7 : memref<64x128xf32, #tpu.memory_space<vmem>>) dst(%dma_wait3A_158 : memref<10112x128xf32, #tpu.memory_space<vmem_shared>>)
    }
    %scan3A_52 = arith.constant 5 : i32
    %barrier3A_53 = arith.constant 0 : index
    tpu.barrier barrier_id(%barrier3A_53)
    %mul3A_54 = arith.constant 632 : i32
    %mul3A_55 = arith.muli %arg1, %mul3A_54 : i32
    %mul3A_56 = arith.constant 632 : i32
    %mul3A_57 = arith.muli %arg1, %mul3A_56 : i32
    "tpu.region"() ({
      %run_scoped3A = tpu.sem_alloc : memref<!tpu.dma_semaphore, #tpu.memory_space<semaphore_mem>>
      %dma_start3A = arith.constant 0 : i32
      %dma_start3A_58 = tpu.memref_slice %arg4[%arg0, %mul3A_57, %dma_start3A] : memref<2x10112x128xf32, #tpu.memory_space<hbm>> -> memref<1x632x128xf32, #tpu.memory_space<hbm>>
      %dma_start3A_59 = tpu.memref_squeeze %dma_start3A_58 : memref<1x632x128xf32, #tpu.memory_space<hbm>> -> memref<632x128xf32, #tpu.memory_space<hbm>>
      %dma_start3A_60 = arith.constant 0 : i32
      %dma_start3A_61 = tpu.memref_slice %arg21[%mul3A_55, %dma_start3A_60] : memref<10112x128xf32, #tpu.memory_space<vmem_shared>> -> memref<632x128xf32, #tpu.memory_space<vmem_shared>>
      tpu.enqueue_dma source(%dma_start3A_61 : memref<632x128xf32, #tpu.memory_space<vmem_shared>>) target(%dma_start3A_59 : memref<632x128xf32, #tpu.memory_space<hbm>>) target_semaphore(%run_scoped3A : memref<!tpu.dma_semaphore, #tpu.memory_space<semaphore_mem>>)
      %dma_wait3A = arith.constant 0 : i32
      %dma_wait3A_62 = tpu.memref_slice %arg4[%arg0, %mul3A_57, %dma_wait3A] : memref<2x10112x128xf32, #tpu.memory_space<hbm>> -> memref<1x632x128xf32, #tpu.memory_space<hbm>>
      %dma_wait3A_63 = tpu.memref_squeeze %dma_wait3A_62 : memref<1x632x128xf32, #tpu.memory_space<hbm>> -> memref<632x128xf32, #tpu.memory_space<hbm>>
      %dma_wait3A_64 = arith.constant 0 : i32
      %dma_wait3A_65 = tpu.memref_slice %arg21[%mul3A_55, %dma_wait3A_64] : memref<10112x128xf32, #tpu.memory_space<vmem_shared>> -> memref<632x128xf32, #tpu.memory_space<vmem_shared>>
      tpu.wait_dma2 semaphore(%run_scoped3A : memref<!tpu.dma_semaphore, #tpu.memory_space<semaphore_mem>>) src(%dma_wait3A_65 : memref<632x128xf32, #tpu.memory_space<vmem_shared>>) dst(%dma_wait3A_63 : memref<632x128xf32, #tpu.memory_space<hbm>>)
      tpu.yield
    }) : () -> ()
    return
  }
}

module attributes {stable_mosaic.version = 14 : i64} {
  func.func @nk(%arg0: i32, %arg1: memref<1280x128xf32, #tpu.memory_space<vmem>>, %arg2: memref<32x1280xf32, #tpu.memory_space<vmem>>, %arg3: memref<1280x128xf32, #tpu.memory_space<vmem>>) attributes {dimension_semantics = [#tpu.dimension_semantics<arbitrary>], iteration_bounds = array<i64: 8>, scalar_prefetch = 0 : i64, scratch_operands = 0 : i64, tpu.core_type = #tpu.core_type<tc>, window_params = [{transform_indices = @transform_0, window_bounds = array<i64: 1280, 128>}, {transform_indices = @transform_1, window_bounds = array<i64: 32, 1280>}, {transform_indices = @transform_2, window_bounds = array<i64: 1280, 128>}]} {
    %get3A = arith.constant 0 : index
    %get3A_0 = arith.constant 0 : index
    %get3A_1 = vector.load %arg2[%get3A, %get3A_0] : memref<32x1280xf32, #tpu.memory_space<vmem>>, vector<32x1280xf32>
    %reduce_sum3A = arith.constant dense<0.000000e+00> : vector<1280xf32>
    %reduce_sum3A_2 = vector.multi_reduction <add>, %get3A_1, %reduce_sum3A [0] : vector<32x1280xf32> to vector<1280xf32>
    %max3A = arith.constant 1.000000e+00 : f32
    %max3A_3 = vector.broadcast %max3A : f32 to vector<1280xf32>
    %max3A_4 = arith.maximumf %reduce_sum3A_2, %max3A_3 : vector<1280xf32>
    %rsqrt3A = math.rsqrt %max3A_4 : vector<1280xf32>
    %reshape3A = vector.shape_cast %rsqrt3A : vector<1280xf32> to vector<1280x1xf32>
    %get3A_5 = arith.constant 0 : index
    %get3A_6 = arith.constant 0 : index
    %get3A_7 = vector.load %arg1[%get3A_5, %get3A_6] : memref<1280x128xf32, #tpu.memory_space<vmem>>, vector<1280x128xf32>
    %mul3A = vector.broadcast %reshape3A : vector<1280x1xf32> to vector<1280x128xf32>
    %mul3A_8 = arith.mulf %get3A_7, %mul3A : vector<1280x128xf32>
    %swap3A = arith.constant 0 : index
    %swap3A_9 = arith.constant 0 : index
    %swap3A_10 = vector.load %arg3[%swap3A, %swap3A_9] : memref<1280x128xf32, #tpu.memory_space<vmem>>, vector<1280x128xf32>
    tpu.vector_store %arg3[%swap3A, %swap3A_9], %mul3A_8 {strides = array<i32>} : memref<1280x128xf32, #tpu.memory_space<vmem>>, vector<1280x128xf32>,
    return
  }
  func.func @transform_0(%arg0: i32) -> (i32, i32) {
    %c0_i32 = arith.constant 0 : i32
    %c0_i32_0 = arith.constant 0 : i32
    return %arg0, %c0_i32 : i32, i32
  }
  func.func @transform_1(%arg0: i32) -> (i32, i32) {
    %c0_i32 = arith.constant 0 : i32
    %c0_i32_0 = arith.constant 0 : i32
    return %c0_i32, %arg0 : i32, i32
  }
  func.func @transform_2(%arg0: i32) -> (i32, i32) {
    %c0_i32 = arith.constant 0 : i32
    %c0_i32_0 = arith.constant 0 : i32
    return %arg0, %c0_i32 : i32, i32
  }
}

module attributes {stable_mosaic.version = 14 : i64} {
  func.func @fk(%arg0: i32, %arg1: memref<2x1024x128xf32, #tpu.memory_space<vmem>>, %arg2: memref<32x1024xf32, #tpu.memory_space<vmem>>, %arg3: memref<128x128xf32, #tpu.memory_space<vmem>>, %arg4: memref<1x128xf32, #tpu.memory_space<vmem>>, %arg5: memref<1024x128xf32, #tpu.memory_space<vmem>>) attributes {dimension_semantics = [#tpu.dimension_semantics<arbitrary>], iteration_bounds = array<i64: 10>, scalar_prefetch = 0 : i64, scratch_operands = 0 : i64, tpu.core_type = #tpu.core_type<tc>, window_params = [{transform_indices = @transform_0, window_bounds = array<i64: 2, 1024, 128>}, {transform_indices = @transform_1, window_bounds = array<i64: 32, 1024>}, {pipeline_mode = #tpu.pipeline_mode<synchronous>, transform_indices = @transform_2, window_bounds = array<i64: 128, 128>}, {pipeline_mode = #tpu.pipeline_mode<synchronous>, transform_indices = @transform_3, window_bounds = array<i64: 1, 128>}, {transform_indices = @transform_4, window_bounds = array<i64: 1024, 128>}]} {
    %get3A = arith.constant 0 : index
    %get3A_0 = arith.constant 0 : index
    %get3A_1 = arith.constant 0 : index
    %get3A_2 = vector.load %arg1[%get3A, %get3A_0, %get3A_1] : memref<2x1024x128xf32, #tpu.memory_space<vmem>>, vector<1x1024x128xf32>
    %get3A_3 = vector.shape_cast %get3A_2 : vector<1x1024x128xf32> to vector<1024x128xf32>
    %get3A_4 = arith.constant 1 : index
    %get3A_5 = arith.constant 0 : index
    %get3A_6 = arith.constant 0 : index
    %get3A_7 = vector.load %arg1[%get3A_4, %get3A_5, %get3A_6] : memref<2x1024x128xf32, #tpu.memory_space<vmem>>, vector<1x1024x128xf32>
    %get3A_8 = vector.shape_cast %get3A_7 : vector<1x1024x128xf32> to vector<1024x128xf32>
    %add3A = arith.addf %get3A_3, %get3A_8 : vector<1024x128xf32>
    %get3A_9 = arith.constant 0 : index
    %get3A_10 = arith.constant 0 : index
    %get3A_11 = vector.load %arg2[%get3A_9, %get3A_10] : memref<32x1024xf32, #tpu.memory_space<vmem>>, vector<32x1024xf32>
    %reduce_sum3A = arith.constant dense<0.000000e+00> : vector<1024xf32>
    %reduce_sum3A_12 = vector.multi_reduction <add>, %get3A_11, %reduce_sum3A [0] : vector<32x1024xf32> to vector<1024xf32>
    %max3A = arith.constant 1.000000e+00 : f32
    %max3A_13 = vector.broadcast %max3A : f32 to vector<1024xf32>
    %max3A_14 = arith.maximumf %reduce_sum3A_12, %max3A_13 : vector<1024xf32>
    %rsqrt3A = math.rsqrt %max3A_14 : vector<1024xf32>
    %reshape3A = vector.shape_cast %rsqrt3A : vector<1024xf32> to vector<1024x1xf32>
    %mul3A = vector.broadcast %reshape3A : vector<1024x1xf32> to vector<1024x128xf32>
    %mul3A_15 = arith.mulf %add3A, %mul3A : vector<1024x128xf32>
    %get3A_16 = arith.constant 0 : index
    %get3A_17 = arith.constant 0 : index
    %get3A_18 = vector.load %arg3[%get3A_16, %get3A_17] : memref<128x128xf32, #tpu.memory_space<vmem>>, vector<128x128xf32>
    %dot_general3A = arith.constant dense<0.000000e+00> : vector<1024x128xf32>
    %dot_general3A_19 = tpu.matmul %mul3A_15, %get3A_18, %dot_general3A {dimension_numbers = #tpu.dot_dimension_numbers<[1], [0], [0], [1], [0, 0, 1, 1], [], []>, transpose_lhs_hint = false} : vector<1024x128xf32>, vector<128x128xf32>, vector<1024x128xf32> -> vector<1024x128xf32>
    %get3A_20 = arith.constant 0 : index
    %get3A_21 = arith.constant 0 : index
    %get3A_22 = vector.load %arg4[%get3A_20, %get3A_21] : memref<1x128xf32, #tpu.memory_space<vmem>>, vector<1x128xf32>
    %add3A_23 = vector.broadcast %get3A_22 : vector<1x128xf32> to vector<1024x128xf32>
    %add3A_24 = arith.addf %dot_general3A_19, %add3A_23 : vector<1024x128xf32>
    %max3A_25 = arith.constant 0.000000e+00 : f32
    %max3A_26 = vector.broadcast %max3A_25 : f32 to vector<1024x128xf32>
    %max3A_27 = arith.maximumf %add3A_24, %max3A_26 : vector<1024x128xf32>
    %swap3A = arith.constant 0 : index
    %swap3A_28 = arith.constant 0 : index
    %swap3A_29 = vector.load %arg5[%swap3A, %swap3A_28] : memref<1024x128xf32, #tpu.memory_space<vmem>>, vector<1024x128xf32>
    tpu.vector_store %arg5[%swap3A, %swap3A_28], %max3A_27 {strides = array<i32>} : memref<1024x128xf32, #tpu.memory_space<vmem>>, vector<1024x128xf32>,
    return
  }
  func.func @transform_0(%arg0: i32) -> (i32, i32, i32) {
    %c0_i32 = arith.constant 0 : i32
    %c0_i32_0 = arith.constant 0 : i32
    %c0_i32_1 = arith.constant 0 : i32
    return %c0_i32, %arg0, %c0_i32_0 : i32, i32, i32
  }
  func.func @transform_1(%arg0: i32) -> (i32, i32) {
    %c0_i32 = arith.constant 0 : i32
    %c0_i32_0 = arith.constant 0 : i32
    return %c0_i32, %arg0 : i32, i32
  }
  func.func @transform_2(%arg0: i32) -> (i32, i32) {
    %c0_i32 = arith.constant 0 : i32
    %c0_i32_0 = arith.constant 0 : i32
    %c0_i32_1 = arith.constant 0 : i32
    return %c0_i32, %c0_i32_0 : i32, i32
  }
  func.func @transform_3(%arg0: i32) -> (i32, i32) {
    %c0_i32 = arith.constant 0 : i32
    %c0_i32_0 = arith.constant 0 : i32
    %c0_i32_1 = arith.constant 0 : i32
    return %c0_i32, %c0_i32_0 : i32, i32
  }
  func.func @transform_4(%arg0: i32) -> (i32, i32) {
    %c0_i32 = arith.constant 0 : i32
    %c0_i32_0 = arith.constant 0 : i32
    return %arg0, %c0_i32 : i32, i32
  }
}

</mosaic_0001>

<sc_bundles>
// kernel: kernel.10.cloned.1.call-start
scs
__scs_entry_jumppad:
0x0: {  	(pc) =	sbr.rel $0x88, $3  }
0x1: {  	(tag) =	ssettag $0x0;
	lr =	simm.s32 $0x1  }
0x2: {  	[smem:$0x3F9D] =	sst lr;
	_ =	strace $0xD0000000  }
0x3: {  	_ = 	snop  }
0x4: {  	_ = 	snop  }
0x5: {  	_ = 	snop  }
0x6: {  	_ = 	snop  }
0x7: {  	_ = 	snop  }
__scs_overlays_trampoline_lowered:
0x8: {  	[smem:$0x3FAC] =	sst s0  }
0x9: {  	[smem:$0x3FAD] =	sst s1  }
0xa: {  	[smem:$0x3FAE] =	sst s2  }
0xb: {  	[smem:$0x3FAF] =	sst s3  }
0xc: {  	[smem:$0x3FB0] =	sst s4  }
0xd: {  	[smem:$0x3FB1] =	sst s5  }
0xe: {  	[smem:$0x3FB2] =	sst s6  }
0xf: {  	[smem:$0x3FB3] =	sst s7  }
0x10: {  	[smem:$0x3FB4] =	sst s8  }
0x11: {  	[smem:$0x3FB5] =	sst s9;
	s0 =	simm.s32 @!p0 $0x0  }
0x12: {  	s1 =	sld [smem:$0x3F9B];
	s0 =	simm.s32 @p0 $0x1  }
0x13: {  	[smem:$0x3FB6] =	sst s0;
	s0 =	simm.s32 @!p1 $0x0  }
0x14: {  	s2 =	sld [smem:$0x3F9A];
	s0 =	simm.s32 @p1 $0x1  }
0x15: {  	[smem:$0x3FB7] =	sst s0;
	s0 =	simm.s32 @!p2 $0x0  }
0x16: {  	s3 =	sld [smem:$0x3FDB];
	s0 =	simm.s32 @p2 $0x1  }
0x17: {  	s4 =	simm.s32 $0x1BF5;
	[smem:$0x3FB9] =	sst s0  }
0x18: {  	s0 =	sld [smem:$0x3F9C];
	_ =	swait.ge [sflag:s4], $0x0  }
0x19: {  	s7 =	sld [smem:$0x3F9D]  }
0x1a: {  	s8 =	sadd.s32 $0xFFFFE003, lr  }
0x1b: {  	s9 =	sadd.s32 $0xFFFFFEF7, lr;
	s5 =	simm.s32 $0xFFFFFFFF;
	p2 =	slt.u32 s8, $0xFFFFF086  }
0x1c: {  	p1 =	slt.u32 s9, $0xF7A;
	s5 =	simm.s32 @!p2 $0x0  }
0x1d: {  	s5 =	simm.s32 @p1 $0x1;
	p0 =	seq.s32 s7, s2  }
0x1e: {  	s7 =	smul.u32 @!p0 $0xF7A, s2;
	p2 =	seq.s32 @!p0 s5, $0x0  }
0x1f: {  	s9 =	smul.u32 $0xF7A, s1;
	s8 =	simm.s32 @!p0 $0x1BF5;
	p2 =	por !p2, p0  }
0x20: {  	[sflag:s8] =	ssyncset.s32 @!p0 $0xFFFFF086;
	s6 =	sadd.s32 @!p0 s3, s7;
	s7 =	simm.s32 @!p0 $0x108  }
0x21: {  	s3 =	sadd.s32 s3, s9;
	s6 =	sadd.s32 @!p0 $0x88, s6;
	s7 =	simm.s32 @p2 $0x1082  }
0x22: {  	[simem:s7], [sflag:s8] =	dma.local @!p0 [hbm:s6], $0xF7A  }
0x23: {  	s9 =	sor.u32 $0xD0000000, s2;
	s6 =	simm.s32 $0x108;
	_ =	swait.ge @!p0 [sflag:s8], $0x0  }
0x24: {  	s3 =	sadd.s32 $0x88, s3;
	s6 =	simm.s32 @!p1 $0x1082;
	[sflag:s4] =	ssyncset.s32 $0xFFFFF086  }
0x25: {  	[simem:s6], [sflag:s4] =	dma.local [hbm:s3], $0xF7A  }
0x26: {  	[smem:$0x3F9D] =	sst s1;
	(tag) =	ssettag s2;
	_ =	strace s9  }
0x27: {  	s1 =	sld [smem:$0x3FAD]  }
0x28: {  	s2 =	sld [smem:$0x3FAE]  }
0x29: {  	s4 =	sld [smem:$0x3FB0]  }
0x2a: {  	p0 =	seq.s32 s5, $0x0;
	s5 =	sld [smem:$0x3FB1]  }
0x2b: {  	s6 =	sld [smem:$0x3FB2]  }
0x2c: {  	s7 =	sld [smem:$0x3FB3]  }
0x2d: {  	s3 =	simm.s32 $0x108;
	s8 =	sld [smem:$0x3FB4]  }
0x2e: {  	s3 =	simm.s32 @!p0 $0x1082;
	s9 =	sld [smem:$0x3FB5]  }
0x2f: {  	lr =	sadd.s32 s0, s3;
	s0 =	sld [smem:$0x3FAC]  }
0x30: {  	s3 =	sld [smem:$0x3FAF]  }
0x31: {  	[smem:$0x3FB8] =	sst s10  }
0x32: {  	s10 =	sld [smem:$0x3FB6];
	_ =	sdelay $0x3  }
0x33: {  	p0 =	seq.s32 s10, $0x1;
	s10 =	sld [smem:$0x3FB8];
	_ =	sdelay $0x3  }
0x34: {  	[smem:$0x3FB8] =	sst s10  }
0x35: {  	s10 =	sld [smem:$0x3FB7];
	_ =	sdelay $0x3  }
0x36: {  	p1 =	seq.s32 s10, $0x1;
	s10 =	sld [smem:$0x3FB8];
	_ =	sdelay $0x3  }
0x37: {  	[smem:$0x3FB8] =	sst s10  }
0x38: {  	s10 =	sld [smem:$0x3FB9]  }
0x39: {  	_ = 	snop;
	(pc) =	sbr.ind lr, $3  }
0x3a: {  	_ = 	snop  }
0x3b: {  	_ = 	snop  }
0x3c: {  	p2 =	seq.s32 s10, $0x1;
	s10 =	sld [smem:$0x3FB8]  }
0x3d: {  	_ =	shalt  }
0x3e: {  	_ =	shalt  }
0x3f: {  	_ =	shalt  }
0x40: {  	_ =	shalt  }
0x41: {  	_ =	shalt  }
0x42: {  	_ =	shalt  }
0x43: {  	_ =	shalt  }
0x44: {  	_ =	shalt  }
0x45: {  	_ =	shalt  }
0x46: {  	_ =	shalt  }
0x47: {  	_ =	shalt  }
0x48: {  	_ =	shalt  }
0x49: {  	_ =	shalt  }
0x4a: {  	_ =	shalt  }
0x4b: {  	_ =	shalt  }
0x4c: {  	_ =	shalt  }
0x4d: {  	_ =	shalt  }
0x4e: {  	_ =	shalt  }
0x4f: {  	_ =	shalt  }
0x50: {  	_ =	shalt  }
0x51: {  	_ =	shalt  }
0x52: {  	_ =	shalt  }
0x53: {  	_ =	shalt  }
0x54: {  	_ =	shalt  }
0x55: {  	_ =	shalt  }
0x56: {  	_ =	shalt  }
0x57: {  	_ =	shalt  }
0x58: {  	_ =	shalt  }
0x59: {  	_ =	shalt  }
0x5a: {  	_ =	shalt  }
0x5b: {  	_ =	shalt  }
0x5c: {  	_ =	shalt  }
0x5d: {  	_ =	shalt  }
0x5e: {  	_ =	shalt  }
0x5f: {  	_ =	shalt  }
0x60: {  	_ =	shalt  }
0x61: {  	_ =	shalt  }
0x62: {  	_ =	shalt  }
0x63: {  	_ =	shalt  }
0x64: {  	_ =	shalt  }
0x65: {  	_ =	shalt  }
0x66: {  	_ =	shalt  }
0x67: {  	_ =	shalt  }
0x68: {  	_ =	shalt  }
0x69: {  	_ =	shalt  }
0x6a: {  	_ =	shalt  }
0x6b: {  	_ =	shalt  }
0x6c: {  	_ =	shalt  }
0x6d: {  	_ =	shalt  }
0x6e: {  	_ =	shalt  }
0x6f: {  	_ =	shalt  }
0x70: {  	_ =	shalt  }
0x71: {  	_ =	shalt  }
0x72: {  	_ =	shalt  }
0x73: {  	_ =	shalt  }
0x74: {  	_ =	shalt  }
0x75: {  	_ =	shalt  }
0x76: {  	_ =	shalt  }
0x77: {  	_ =	shalt  }
0x78: {  	_ =	shalt  }
0x79: {  	_ =	shalt  }
0x7a: {  	_ =	shalt  }
0x7b: {  	_ =	shalt  }
0x7c: {  	_ =	shalt  }
0x7d: {  	_ =	shalt  }
0x7e: {  	_ =	shalt  }
0x7f: {  	_ =	shalt  }
0x80: {  	_ =	shalt  }
0x81: {  	_ =	shalt  }
0x82: {  	_ =	shalt  }
0x83: {  	_ =	shalt  }
0x84: {  	_ =	shalt  }
0x85: {  	_ =	shalt  }
0x86: {  	_ =	shalt  }
0x87: {  	_ =	shalt  }
.Lfunc_end0:
.L_simem_size_0:
called_computation.1_lowered:
.L_overlay_start_0:
0x88: {  	s2 =	sld [smem:$0x3FD9]  }
0x89: {  	s3 =	sld [smem:$0x3FFE];
	_ =	sdelay $0x1  }
0x8a: {  	s1 =	srdreg.scid  }
0x8b: {  	s0 =	sand.u32 $0x1, s1  }
0x8c: {  	s17 =	sshll.u32 s0, $0xA;
	s2 =	sadd.s32 s3, s2  }
0x8d: {  	s2 =	sadd.s32 s2, s17  }
0x8e: {  	[smem:$0x3FC4] =	sst s2  }
0x8f: {  	_ = 	snop  }
0x90: {  	s18 =	sld [smem:$0x3FD0];
	(tm) =	ssettm $0x1  }
0x91: {  	s19 =	sld [smem:$0x3FFB];
	_ =	sdelay $0x3  }
0x92: {  	_ =	strace s19  }
0x93: {  	s2 =	sld [smem:$0x3FFC];
	_ =	sdelay $0x3  }
0x94: {  	_ =	strace s2  }
0x95: {  	s2 =	sld [smem:$0x3FFD];
	_ =	sdelay $0x3  }
0x96: {  	_ =	strace s2  }
0x97: {  	_ =	strace $0x8FFFFFFF  }
0x98: {  	s20 =	sld [smem:$0x3FDB];
	_ =	sdelay $0x1  }
0x99: {  	s4 =	simm.s32 $_scs_section_size  }
0x9a: {  	s5 =	simm.s32 $_size__tile_overlayer_lowered;
	s6 =	simm.s32 $_tile_overlayer_lowered  }
0x9b: {  	s7 =	simm.s32 $0x1BFF;
	s21 =	sshll.u32 s6, $0x1;
	s4 =	sadd.s32 s4, s20  }
0x9c: {  	s22 =	simm.s32 $0x0;
	s5 =	sshll.u32 s5, $0x1;
	s6 =	sadd.s32 s21, s4  }
0x9d: {  	[timem:s22], [sflag:s7] =	dma.local [hbm:s6], s5  }
0x9e: {  	_ =	swait.ge [sflag:s7], s5  }
0x9f: {  	s5 =	ssub.s32 $0x0, s5;
	[sflag:s7] =	ssyncset.done $0x0  }
0xa0: {  	[sflag:s7] =	ssyncadd.s32 s5;
	_ =	sdelay $0x1  }
0xa1: {  	s23 =	simm.s32 $0x1B8B  }
0xa2: {  	_ =	swait.ge [sflag:s23], $0x1  }
0xa3: {  	[sflag:s23] =	ssyncset.done $0x0  }
0xa4: {  	[sflag:s23] =	ssyncadd.s32 $0xFFFFFFFF  }
0xa5: {  	s5 =	sld [smem:$0x0]  }
0xa6: {  	s6 =	sand.u32 $0xFFFFFFFE, s1  }
0xa7: {  	p0 =	sne.s32 s1, s6  }
0xa8: {  	s6 =	sshll.u32 @p0 s6, $0xE  }
0xa9: {  	s6 =	sadd.s32 @p0 $0x11B8D, s6;
	s7 =	sshll.u32 @p0 s5, $0x11  }
0xaa: {  	s6 =	sor.u32 @p0 s7, s6  }
0xab: {  	[sflag:s6] =	ssyncadd.remote.s32 @p0 $0x1;
	_ =	sdelay $0x1  }
0xac: {  	s6 =	simm.s32 @p0 $0x1B8D  }
0xad: {  	_ =	swait.eq @p0 [sflag:s6], $0x1  }
0xae: {  	[sflag:s6] =	ssyncadd.s32 @p0 $0xFFFFFFFF  }
0xaf: {  	s7 =	sshll.u32 @!p0 s1, $0xE  }
0xb0: {  	s7 =	sor.u32 @!p0 $0x4000, s7;
	s6 =	simm.s32 @!p0 $0x1B8D  }
0xb1: {  	s5 =	sshll.u32 @!p0 s5, $0x11;
	s7 =	sadd.s32 @!p0 $0x11B8D, s7;
	_ =	swait.eq @!p0 [sflag:s6], $0x1  }
0xb2: {  	s5 =	sor.u32 @!p0 s5, s7;
	[sflag:s6] =	ssyncadd.s32 @!p0 $0xFFFFFFFF  }
0xb3: {  	s25 =	simm.s32 $0x1B8E;
	s24 =	sld [smem:$0x3FFE];
	[sflag:s5] =	ssyncadd.remote.s32 @!p0 $0x1  }
0xb4: {  	s26 =	simm.s32 $execute0_lowered;
	[smem:$0x3FD2] =	sst s25  }
0xb5: {  	s6 =	sshll.u32 s26, $0x1;
	_ =	strace $0x80000049;
	[dreg:$0x1] =	wrdreg $0xFFFFFFFF  }
0xb6: {  	s28 =	simm.s32 $_size_execute0_lowered;
	s4 =	sadd.s32 s4, s6;
	[dreg:$0x0] =	wrdreg $0x0  }
0xb7: {  	s6 =	sshll.u32 s28, $0x1;
	[dreg:$0x2] =	wrdreg s4  }
0xb8: {  	[dreg:$0x3] =	wrdreg s6  }
0xb9: {  	[dreg:$0x4] =	wrdreg $0xC0  }
0xba: {  	_ =	task [dreg:s22], $0x5FFFF  }
0xbb: {  	[dreg:$0x1] =	wrdreg $0xFFFFFFFF  }
0xbc: {  	[dreg:$0x0] =	wrdreg $0x60  }
0xbd: {  	[dreg:$0x2] =	wrdreg s18  }
0xbe: {  	[dreg:$0x3] =	wrdreg s24  }
0xbf: {  	[dreg:$0x4] =	wrdreg $0x9  }
0xc0: {  	_ =	task.clear_ibuf [dreg:s22], $0x5FFFF;
	_ =	strace $0x90000049  }
0xc1: {  	s29 =	simm.s32 $0x9;
	_ =	strace $0x8000004B  }
0xc2: {  	_ =	swait.ge [sflag:s29], $0x1  }
0xc3: {  	[sflag:s29] =	ssyncadd.s32 $0xFFFFFFFF  }
0xc4: {  	_ =	strace $0x9000004B  }
0xc5: {  	_ =	sfence  }
0xc6: {  	s30 =	sld [smem:$0x0];
	_ =	sdelay $0x2  }
0xc7: {  	s31 =	sshll.u32 s1, $0xD;
	s1 =	sshrl.u32 s1, $0x2  }
0xc8: {  	s4 =	sand.u32 $0x4000, s31;
	s1 =	sadd.s32 s1, s30  }
0xc9: {  	s0 =	sor.u32 s4, s0;
	s1 =	sshll.u32 s1, $0x11  }
0xca: {  	s0 =	sor.u32 s1, s0  }
0xcb: {  	s0 =	sadd.s32 $0x8F2B, s0  }
0xcc: {  	[sflag:s0] =	ssyncadd.remote.s32 $0x1  }
0xcd: {  	_ =	sfence.sel $0xFFFF  }
0xce: {  	[dreg:$0x0] =	wrdreg $0xFFFFFFFF;
	(pc) =	sbr.abs _section_cstart, $3  }
0xcf: {  	[dreg:$0x1] =	wrdreg $0xFFFFFFFF  }
0xd0: {  	_ =	task.clear_ibuf [dreg:s22], $0x2FFFF;
	_ =	strace $0x9FFFFFFF  }
0xd1: {  	(tm) =	ssettm $0x7FFFFFFF  }
tec
execute0_lowered:
.L_overlay_start_1:
0x0: {  	(tag) =	ssettag $0x1  }
0x1: {  	s0 =	srdreg.scid  }
0x2: {  	s3 =	sand.u32 $0x1, s0  }
0x3: {  	s0 =	stileid.u32;
	s1 =	sshll.u32 s3, $0x4  }
0x4: {  	s5 =	rddreg [dreg:$0x0];
	s4 =	sor.u32 s0, s1  }
0x5: {  	s6 =	rddreg [dreg:$0x1];
	s2 =	simm.s32 $0x0;
	s1 =	sshrl.u32 s4, $0x3  }
0x6: {  	s9 =	simm.s32 $0x400;
	s8 =	sshll.u32 s0, $0x7;
	s7 =	smul.u32 $0x13C00, s1  }
0x7: {  	s10 =	simm.s32 $0x0;
	s3 =	ssub.s32 $0x2, s3;
	s8 =	sand.u32 $0x380, s8  }
0x8: {  	[smem:$0x7FF] =	sst s2;
	s31 =	sshrl.u32 s3, $0x1;
	s7 =	sor.u32 s8, s7  }
0x9: {  	s4 =	smul.u32 $0xA00, s4;
	s1 =	rddreg [dreg:$0x2];
	s7 =	sshrl.u32 s7, $0x3  }
0xa: {  	_ =	strace $0x8000004A;
	s8 =	simm.s32 $0x80;
	s6 =	sadd.s32 s7, s6  }
0xb: {  	s7 =	ssub.s32 s3, s31;
	s3 =	sadd.s32 s5, s4;
	s4 =	sadd.s32 $0x20000, s6  }
0xc: {  	v0 =	vimm.f32 $0.0e+00;
	v1 =	vimm.f32 $1.000000000e+00;
	s5 =	smax.u32 s7, $0x1;
	s6 =	simm.s32 $0x1;
	s7 =	simm.s32 $0x5000  }
.LBB2_1:
0xd: {  	[tilespmem:s2], [sflag:$0x1] =	stream.linear.gather [hbm4b:s3+s2], $0x5000, $0x38;
	[tilespmem:$0x7780] =	vst v63  }
0xe: {  	_ =	swait.ge [sflag:s6], $0x5000  }
0xf: {  	[sflag:s6] =	ssyncset.done $0x0  }
0x10: {  	s11 =	simm.s32 $0x0;
	[sflag:s6] =	ssyncadd.s32 $0xFFFFB000  }
.LBB2_2:
0x11: {  	p0 =	sne.s32 s11, $0x9DC0  }
.Ltmp0:
0x12: {  	_ = 	snop;
	(pc) =	sbr.rel @p0 .LBB2_2-.Ltmp0, $3  }
0x13: {  	_ =	sdelay $0x1  }
0x14: {  	s12 =	sshra.s32 s11, $0x2  }
0x15: {  	s11 =	sadd.s32 $0x40, s11;
	[tilespmem:s12+$0x5000] =	vst v0  }
0x16: {  	s11 =	simm.s32 $0x0  }
.LBB2_4:
0x17: {  	s12 =	sshra.s32 s11, $0x2  }
0x18: {  	v2 =	vld [tilespmem:s12+$0x0];
	_ =	sdelay $0x7  }
0x19: {  	[tilespmem:v2+s7+$0x0] =	vst.idx.add.f32.msk $0xffff, v1  }
0x1a: {  	v2 =	vld [tilespmem:s12+$0x10];
	_ =	sdelay $0x7  }
0x1b: {  	[tilespmem:v2+s7+$0x0] =	vst.idx.add.f32.msk $0xffff, v1  }
0x1c: {  	v2 =	vld [tilespmem:s12+$0x20];
	_ =	sdelay $0x7  }
0x1d: {  	[tilespmem:v2+s7+$0x0] =	vst.idx.add.f32.msk $0xffff, v1  }
0x1e: {  	v2 =	vld [tilespmem:s12+$0x30];
	_ =	sdelay $0x2  }
0x1f: {  	p0 =	sne.s32 s11, $0x13E00  }
.Ltmp1:
0x20: {  	_ = 	snop;
	(pc) =	sbr.rel @p0 .LBB2_4-.Ltmp1, $2  }
0x21: {  	_ =	sdelay $0x2  }
0x22: {  	s11 =	sadd.s32 $0x200, s11;
	[tilespmem:v2+s7+$0x0] =	vst.idx.add.f32.msk $0xffff, v1  }
0x23: {  	s10 =	sadd.s32 $0x1, s10  }
0x24: {  	p0 =	sne.s32 s10, s5  }
.Ltmp2:
0x25: {  	_ = 	snop;
	(pc) =	sbr.rel @p0 .LBB2_1-.Ltmp2, $4  }
0x26: {  	[hbm4b:s4+s8] =	stream.strided.scatter [tilespmem:s7], [sflag:$0x1], $0x2780, s9, s8, $0x38;
	[tilespmem:$0x7780] =	vst v63  }
0x27: {  	_ =	swait.ge [sflag:s6], $0x2780  }
0x28: {  	[sflag:s6] =	ssyncset.done $0x0  }
0x29: {  	[sflag:s6] =	ssyncadd.s32 $0xFFFFD880  }
0x2a: {  	_ =	sfence.sel $0x180000  }
0x2b: {  	[bflag:$0x0] =	sbarrier.arrive $0xFFFF  }
0x2c: {  	p0 =	sne.s32 s0, $0x0;
	_ =	strace $0x9000004A  }
0x2d: {  	s0 =	sadd.s32 @!p0 $0x100000, s1;
	[bflag:$0x2] =	sbarrier.arrive $0xFFFF  }
0x2e: {  	[sflag:s0] =	ssyncadd.tile.s32 @!p0 $0x1;
	_ =	shalt  }
.Lfunc_end2:
_tile_overlayer_lowered:
.L_overlay_start_2:
0x2f: {  	(tag) =	ssettag $0x2  }
0x30: {  	s0 =	rddreg [dreg:$0x0];
	s2 =	stileid.u32  }
0x31: {  	s1 =	rddreg [dreg:$0x1];
	p0 =	sne.s32 s2, $0x0  }
0x32: {  	s3 =	rddreg [dreg:$0x2];
	[bflag:$0x3] =	sbarrier.arrive $0xFFFF;
	s2 =	simm.s32 @!p0 $0x1C01  }
0x33: {  	[timem:s3], [sflag:s2] =	dma.local @!p0 [hbm:s0], s1  }
0x34: {  	s0 =	simm.s32 @!p0 $0x1  }
0x35: {  	_ =	swait.ge @!p0 [sflag:s0], s1  }
0x36: {  	s1 =	ssub.s32 @!p0 $0x0, s1;
	[sflag:s0] =	ssyncset.done @!p0 $0x0  }
0x37: {  	[sflag:s0] =	ssyncadd.s32 @!p0 s1  }
0x38: {  	[bflag:$0x3] =	sbarrier.arrive $0xFFFF  }
0x39: {  	_ =	shalt  }

// kernel: kernel.13.cloned.1.call-start
scs
__scs_entry_jumppad:
0x0: {  	(pc) =	sbr.rel $0x88, $3  }
0x1: {  	(tag) =	ssettag $0x0;
	lr =	simm.s32 $0x1  }
0x2: {  	[smem:$0x3F9D] =	sst lr;
	_ =	strace $0xD0000000  }
0x3: {  	_ = 	snop  }
0x4: {  	_ = 	snop  }
0x5: {  	_ = 	snop  }
0x6: {  	_ = 	snop  }
0x7: {  	_ = 	snop  }
__scs_overlays_trampoline_lowered:
0x8: {  	[smem:$0x3FAC] =	sst s0  }
0x9: {  	[smem:$0x3FAD] =	sst s1  }
0xa: {  	[smem:$0x3FAE] =	sst s2  }
0xb: {  	[smem:$0x3FAF] =	sst s3  }
0xc: {  	[smem:$0x3FB0] =	sst s4  }
0xd: {  	[smem:$0x3FB1] =	sst s5  }
0xe: {  	[smem:$0x3FB2] =	sst s6  }
0xf: {  	[smem:$0x3FB3] =	sst s7  }
0x10: {  	[smem:$0x3FB4] =	sst s8  }
0x11: {  	[smem:$0x3FB5] =	sst s9;
	s0 =	simm.s32 @!p0 $0x0  }
0x12: {  	s1 =	sld [smem:$0x3F9B];
	s0 =	simm.s32 @p0 $0x1  }
0x13: {  	[smem:$0x3FB6] =	sst s0;
	s0 =	simm.s32 @!p1 $0x0  }
0x14: {  	s2 =	sld [smem:$0x3F9A];
	s0 =	simm.s32 @p1 $0x1  }
0x15: {  	[smem:$0x3FB7] =	sst s0;
	s0 =	simm.s32 @!p2 $0x0  }
0x16: {  	s3 =	sld [smem:$0x3FDB];
	s0 =	simm.s32 @p2 $0x1  }
0x17: {  	s4 =	simm.s32 $0x1BF5;
	[smem:$0x3FB9] =	sst s0  }
0x18: {  	s0 =	sld [smem:$0x3F9C];
	_ =	swait.ge [sflag:s4], $0x0  }
0x19: {  	s7 =	sld [smem:$0x3F9D]  }
0x1a: {  	s8 =	sadd.s32 $0xFFFFE003, lr  }
0x1b: {  	s9 =	sadd.s32 $0xFFFFFEF7, lr;
	s5 =	simm.s32 $0xFFFFFFFF;
	p2 =	slt.u32 s8, $0xFFFFF086  }
0x1c: {  	p1 =	slt.u32 s9, $0xF7A;
	s5 =	simm.s32 @!p2 $0x0  }
0x1d: {  	s5 =	simm.s32 @p1 $0x1;
	p0 =	seq.s32 s7, s2  }
0x1e: {  	s7 =	smul.u32 @!p0 $0xF7A, s2;
	p2 =	seq.s32 @!p0 s5, $0x0  }
0x1f: {  	s9 =	smul.u32 $0xF7A, s1;
	s8 =	simm.s32 @!p0 $0x1BF5;
	p2 =	por !p2, p0  }
0x20: {  	[sflag:s8] =	ssyncset.s32 @!p0 $0xFFFFF086;
	s6 =	sadd.s32 @!p0 s3, s7;
	s7 =	simm.s32 @!p0 $0x108  }
0x21: {  	s3 =	sadd.s32 s3, s9;
	s6 =	sadd.s32 @!p0 $0x88, s6;
	s7 =	simm.s32 @p2 $0x1082  }
0x22: {  	[simem:s7], [sflag:s8] =	dma.local @!p0 [hbm:s6], $0xF7A  }
0x23: {  	s9 =	sor.u32 $0xD0000000, s2;
	s6 =	simm.s32 $0x108;
	_ =	swait.ge @!p0 [sflag:s8], $0x0  }
0x24: {  	s3 =	sadd.s32 $0x88, s3;
	s6 =	simm.s32 @!p1 $0x1082;
	[sflag:s4] =	ssyncset.s32 $0xFFFFF086  }
0x25: {  	[simem:s6], [sflag:s4] =	dma.local [hbm:s3], $0xF7A  }
0x26: {  	[smem:$0x3F9D] =	sst s1;
	(tag) =	ssettag s2;
	_ =	strace s9  }
0x27: {  	s1 =	sld [smem:$0x3FAD]  }
0x28: {  	s2 =	sld [smem:$0x3FAE]  }
0x29: {  	s4 =	sld [smem:$0x3FB0]  }
0x2a: {  	p0 =	seq.s32 s5, $0x0;
	s5 =	sld [smem:$0x3FB1]  }
0x2b: {  	s6 =	sld [smem:$0x3FB2]  }
0x2c: {  	s7 =	sld [smem:$0x3FB3]  }
0x2d: {  	s3 =	simm.s32 $0x108;
	s8 =	sld [smem:$0x3FB4]  }
0x2e: {  	s3 =	simm.s32 @!p0 $0x1082;
	s9 =	sld [smem:$0x3FB5]  }
0x2f: {  	lr =	sadd.s32 s0, s3;
	s0 =	sld [smem:$0x3FAC]  }
0x30: {  	s3 =	sld [smem:$0x3FAF]  }
0x31: {  	[smem:$0x3FB8] =	sst s10  }
0x32: {  	s10 =	sld [smem:$0x3FB6];
	_ =	sdelay $0x3  }
0x33: {  	p0 =	seq.s32 s10, $0x1;
	s10 =	sld [smem:$0x3FB8];
	_ =	sdelay $0x3  }
0x34: {  	[smem:$0x3FB8] =	sst s10  }
0x35: {  	s10 =	sld [smem:$0x3FB7];
	_ =	sdelay $0x3  }
0x36: {  	p1 =	seq.s32 s10, $0x1;
	s10 =	sld [smem:$0x3FB8];
	_ =	sdelay $0x3  }
0x37: {  	[smem:$0x3FB8] =	sst s10  }
0x38: {  	s10 =	sld [smem:$0x3FB9]  }
0x39: {  	_ = 	snop;
	(pc) =	sbr.ind lr, $3  }
0x3a: {  	_ = 	snop  }
0x3b: {  	_ = 	snop  }
0x3c: {  	p2 =	seq.s32 s10, $0x1;
	s10 =	sld [smem:$0x3FB8]  }
0x3d: {  	_ =	shalt  }
0x3e: {  	_ =	shalt  }
0x3f: {  	_ =	shalt  }
0x40: {  	_ =	shalt  }
0x41: {  	_ =	shalt  }
0x42: {  	_ =	shalt  }
0x43: {  	_ =	shalt  }
0x44: {  	_ =	shalt  }
0x45: {  	_ =	shalt  }
0x46: {  	_ =	shalt  }
0x47: {  	_ =	shalt  }
0x48: {  	_ =	shalt  }
0x49: {  	_ =	shalt  }
0x4a: {  	_ =	shalt  }
0x4b: {  	_ =	shalt  }
0x4c: {  	_ =	shalt  }
0x4d: {  	_ =	shalt  }
0x4e: {  	_ =	shalt  }
0x4f: {  	_ =	shalt  }
0x50: {  	_ =	shalt  }
0x51: {  	_ =	shalt  }
0x52: {  	_ =	shalt  }
0x53: {  	_ =	shalt  }
0x54: {  	_ =	shalt  }
0x55: {  	_ =	shalt  }
0x56: {  	_ =	shalt  }
0x57: {  	_ =	shalt  }
0x58: {  	_ =	shalt  }
0x59: {  	_ =	shalt  }
0x5a: {  	_ =	shalt  }
0x5b: {  	_ =	shalt  }
0x5c: {  	_ =	shalt  }
0x5d: {  	_ =	shalt  }
0x5e: {  	_ =	shalt  }
0x5f: {  	_ =	shalt  }
0x60: {  	_ =	shalt  }
0x61: {  	_ =	shalt  }
0x62: {  	_ =	shalt  }
0x63: {  	_ =	shalt  }
0x64: {  	_ =	shalt  }
0x65: {  	_ =	shalt  }
0x66: {  	_ =	shalt  }
0x67: {  	_ =	shalt  }
0x68: {  	_ =	shalt  }
0x69: {  	_ =	shalt  }
0x6a: {  	_ =	shalt  }
0x6b: {  	_ =	shalt  }
0x6c: {  	_ =	shalt  }
0x6d: {  	_ =	shalt  }
0x6e: {  	_ =	shalt  }
0x6f: {  	_ =	shalt  }
0x70: {  	_ =	shalt  }
0x71: {  	_ =	shalt  }
0x72: {  	_ =	shalt  }
0x73: {  	_ =	shalt  }
0x74: {  	_ =	shalt  }
0x75: {  	_ =	shalt  }
0x76: {  	_ =	shalt  }
0x77: {  	_ =	shalt  }
0x78: {  	_ =	shalt  }
0x79: {  	_ =	shalt  }
0x7a: {  	_ =	shalt  }
0x7b: {  	_ =	shalt  }
0x7c: {  	_ =	shalt  }
0x7d: {  	_ =	shalt  }
0x7e: {  	_ =	shalt  }
0x7f: {  	_ =	shalt  }
0x80: {  	_ =	shalt  }
0x81: {  	_ =	shalt  }
0x82: {  	_ =	shalt  }
0x83: {  	_ =	shalt  }
0x84: {  	_ =	shalt  }
0x85: {  	_ =	shalt  }
0x86: {  	_ =	shalt  }
0x87: {  	_ =	shalt  }
.Lfunc_end0:
.L_simem_size_0:
called_computation.2_lowered:
.L_overlay_start_0:
0x88: {  	s2 =	sld [smem:$0x3FD9]  }
0x89: {  	s3 =	sld [smem:$0x3FFE];
	_ =	sdelay $0x1  }
0x8a: {  	s1 =	srdreg.scid  }
0x8b: {  	s0 =	sand.u32 $0x1, s1  }
0x8c: {  	s17 =	sshll.u32 s0, $0xA;
	s2 =	sadd.s32 s3, s2  }
0x8d: {  	s2 =	sadd.s32 s2, s17  }
0x8e: {  	[smem:$0x3FC4] =	sst s2  }
0x8f: {  	_ = 	snop  }
0x90: {  	(tm) =	ssettm $0x1  }
0x91: {  	s18 =	sld [smem:$0x3FFB];
	_ =	sdelay $0x3  }
0x92: {  	_ =	strace s18  }
0x93: {  	s2 =	sld [smem:$0x3FFC];
	_ =	sdelay $0x3  }
0x94: {  	_ =	strace s2  }
0x95: {  	s2 =	sld [smem:$0x3FFD];
	_ =	sdelay $0x3  }
0x96: {  	_ =	strace s2  }
0x97: {  	_ =	strace $0x8FFFFFFF  }
0x98: {  	s19 =	sld [smem:$0x3FDB];
	_ =	sdelay $0x1  }
0x99: {  	s20 =	simm.s32 $_scs_section_size  }
0x9a: {  	s4 =	simm.s32 $_size__tile_overlayer_lowered;
	s5 =	simm.s32 $_tile_overlayer_lowered  }
0x9b: {  	s6 =	simm.s32 $0x1BFF;
	s21 =	sshll.u32 s5, $0x1;
	s3 =	sadd.s32 s20, s19  }
0x9c: {  	s22 =	simm.s32 $0x0;
	s4 =	sshll.u32 s4, $0x1;
	s5 =	sadd.s32 s21, s3  }
0x9d: {  	[timem:s22], [sflag:s6] =	dma.local [hbm:s5], s4  }
0x9e: {  	_ =	swait.ge [sflag:s6], s4  }
0x9f: {  	s4 =	ssub.s32 $0x0, s4;
	[sflag:s6] =	ssyncset.done $0x0  }
0xa0: {  	[sflag:s6] =	ssyncadd.s32 s4;
	_ =	sdelay $0x1  }
0xa1: {  	s23 =	simm.s32 $0x1B8B  }
0xa2: {  	_ =	swait.ge [sflag:s23], $0x1  }
0xa3: {  	[sflag:s23] =	ssyncset.done $0x0  }
0xa4: {  	[sflag:s23] =	ssyncadd.s32 $0xFFFFFFFF  }
0xa5: {  	s4 =	sld [smem:$0x0]  }
0xa6: {  	s5 =	sand.u32 $0xFFFFFFFE, s1  }
0xa7: {  	p0 =	sne.s32 s1, s5  }
0xa8: {  	s5 =	sshll.u32 @p0 s5, $0xE  }
0xa9: {  	s5 =	sadd.s32 @p0 $0x11B8D, s5;
	s6 =	sshll.u32 @p0 s4, $0x11  }
0xaa: {  	s5 =	sor.u32 @p0 s6, s5  }
0xab: {  	[sflag:s5] =	ssyncadd.remote.s32 @p0 $0x1;
	_ =	sdelay $0x1  }
0xac: {  	s5 =	simm.s32 @p0 $0x1B8D  }
0xad: {  	_ =	swait.eq @p0 [sflag:s5], $0x1  }
0xae: {  	[sflag:s5] =	ssyncadd.s32 @p0 $0xFFFFFFFF  }
0xaf: {  	s6 =	sshll.u32 @!p0 s1, $0xE  }
0xb0: {  	s6 =	sor.u32 @!p0 $0x4000, s6;
	s5 =	simm.s32 @!p0 $0x1B8D  }
0xb1: {  	s4 =	sshll.u32 @!p0 s4, $0x11;
	s6 =	sadd.s32 @!p0 $0x11B8D, s6;
	_ =	swait.eq @!p0 [sflag:s5], $0x1  }
0xb2: {  	s4 =	sor.u32 @!p0 s4, s6;
	[sflag:s5] =	ssyncadd.s32 @!p0 $0xFFFFFFFF  }
0xb3: {  	s25 =	simm.s32 $0x1B8E;
	s24 =	sld [smem:$0x3FFE];
	[sflag:s4] =	ssyncadd.remote.s32 @!p0 $0x1  }
0xb4: {  	s26 =	simm.s32 $execute0_lowered;
	[smem:$0x3FD2] =	sst s25  }
0xb5: {  	s5 =	sshll.u32 s26, $0x1;
	_ =	strace $0x8000004C;
	[dreg:$0x1] =	wrdreg $0xFFFFFFFF  }
0xb6: {  	s28 =	simm.s32 $_size_execute0_lowered;
	s3 =	sadd.s32 s3, s5;
	[dreg:$0x0] =	wrdreg $0x0  }
0xb7: {  	s5 =	sshll.u32 s28, $0x1;
	[dreg:$0x2] =	wrdreg s3  }
0xb8: {  	[dreg:$0x3] =	wrdreg s5  }
0xb9: {  	[dreg:$0x4] =	wrdreg $0xC0  }
0xba: {  	_ =	task [dreg:s22], $0x5FFFF  }
0xbb: {  	[dreg:$0x1] =	wrdreg $0xFFFFFFFF  }
0xbc: {  	[dreg:$0x0] =	wrdreg $0x60  }
0xbd: {  	[dreg:$0x2] =	wrdreg s24  }
0xbe: {  	[dreg:$0x3] =	wrdreg $0xC0000  }
0xbf: {  	[dreg:$0x4] =	wrdreg $0xA  }
0xc0: {  	_ =	task.clear_ibuf [dreg:s22], $0x5FFFF;
	_ =	strace $0x9000004C  }
0xc1: {  	s29 =	simm.s32 $0xA;
	_ =	strace $0x8000004E  }
0xc2: {  	_ =	swait.ge [sflag:s29], $0x1  }
0xc3: {  	[sflag:s29] =	ssyncadd.s32 $0xFFFFFFFF  }
0xc4: {  	_ =	strace $0x9000004E  }
0xc5: {  	_ =	sfence  }
0xc6: {  	s30 =	sld [smem:$0x0];
	_ =	sdelay $0x2  }
0xc7: {  	s31 =	sshll.u32 s1, $0xD;
	s1 =	sshrl.u32 s1, $0x2  }
0xc8: {  	s4 =	sand.u32 $0x4000, s31;
	s1 =	sadd.s32 s1, s30  }
0xc9: {  	s0 =	sor.u32 s4, s0;
	s1 =	sshll.u32 s1, $0x11  }
0xca: {  	s0 =	sor.u32 s1, s0  }
0xcb: {  	s0 =	sadd.s32 $0x8F2B, s0  }
0xcc: {  	[sflag:s0] =	ssyncadd.remote.s32 $0x1  }
0xcd: {  	_ =	sfence.sel $0xFFFF  }
0xce: {  	[dreg:$0x0] =	wrdreg $0xFFFFFFFF;
	(pc) =	sbr.abs _section_cstart, $3  }
0xcf: {  	[dreg:$0x1] =	wrdreg $0xFFFFFFFF  }
0xd0: {  	_ =	task.clear_ibuf [dreg:s22], $0x2FFFF;
	_ =	strace $0x9FFFFFFF  }
0xd1: {  	(tm) =	ssettm $0x7FFFFFFF  }
tec
execute0_lowered:
.L_overlay_start_1:
0x0: {  	(tag) =	ssettag $0x1  }
0x1: {  	s0 =	rddreg [dreg:$0x0]  }
0x2: {  	s1 =	rddreg [dreg:$0x1]  }
0x3: {  	s2 =	srdreg.scid;
	s4 =	simm.s32 $0x0;
	s8 =	stileid.u32  }
0x4: {  	s28 =	simm.s32 $0x1;
	s30 =	simm.s32 $0x8000;
	s31 =	simm.s32 $0x2  }
0x5: {  	s11 =	simm.s32 $0x7;
	s12 =	simm.s32 $0x4;
	s15 =	simm.s32 $0x8  }
0x6: {  	s29 =	simm.s32 $0x1F00;
	s9 =	simm.s32 $0x0;
	s6 =	smul.u32 $0x4F000, s8  }
0x7: {  	s2 =	sand.u32 $0x1, s2;
	[smem:$0x7FF] =	sst s4;
	s5 =	smul.u32 $0x13C00, s8  }
0x8: {  	s4 =	sadd.s32 $0x51E00, s0;
	s3 =	smul.u32 $0x13C000, s2;
	s6 =	sshrl.u32 s6, $0x2  }
0x9: {  	_ =	strace $0x8000004D;
	s7 =	ssub.s32 $0x2, s2;
	s14 =	sadd.s32 s6, s1  }
0xa: {  	s2 =	sshll.u32 s2, $0x4;
	s6 =	sadd.s32 $0x2000, s14;
	[dreg:$0x3] =	wrdreg s14  }
0xb: {  	s17 =	sshrl.u32 s7, $0x1;
	s18 =	sadd.s32 $0x4000, s14;
	[dreg:$0x4] =	wrdreg s6  }
0xc: {  	s2 =	sor.u32 s8, s2;
	s19 =	sadd.s32 $0x6000, s14;
	[dreg:$0x5] =	wrdreg s18  }
0xd: {  	s8 =	simm.s32 $0x3;
	s20 =	sadd.s32 $0x8000, s14;
	[dreg:$0x6] =	wrdreg s19  }
0xe: {  	s3 =	sadd.s32 s5, s3;
	s21 =	sadd.s32 $0xA000, s14;
	[dreg:$0x7] =	wrdreg s20  }
0xf: {  	s5 =	sadd.s32 $0x29E00, s0;
	s22 =	sadd.s32 $0xC000, s14;
	[dreg:$0x8] =	wrdreg s21  }
0x10: {  	s16 =	smul.u32 $0x5000, s2;
	s23 =	sadd.s32 $0xE000, s14;
	[dreg:$0x9] =	wrdreg s22  }
0x11: {  	s3 =	sshrl.u32 s3, $0x3;
	s24 =	sadd.s32 $0x10000, s14;
	[dreg:$0xa] =	wrdreg s23  }
0x12: {  	s25 =	sadd.s32 $0x12000, s14;
	s0 =	sadd.s32 s3, s0;
	[dreg:$0xb] =	wrdreg s24  }
0x13: {  	s3 =	ssub.s32 s7, s17;
	[dreg:$0xc] =	wrdreg s25;
	s19 =	simm.s32 $0x2000  }
0x14: {  	s20 =	simm.s32 $0xB;
	s21 =	simm.s32 $0x1000;
	s22 =	simm.s32 $0x40  }
.Ltmp0:
0x15: {  	s24 =	simm.s32 $0x4000;
	s7 =	simm.s32 $0x6;
	(pc) =	sbr.rel .LBB2_1-.Ltmp0, $4  }
0x16: {  	s17 =	simm.s32 $0x5;
	s18 =	simm.s32 $0x1200;
	s6 =	simm.s32 $0x380  }
0x17: {  	s23 =	simm.s32 $0x9;
	s25 =	simm.s32 $0xA;
	s0 =	sadd.s32 $0x79600, s0  }
0x18: {  	s26 =	smax.u32 s3, $0x1;
	s3 =	simm.s32 $0xA000;
	[dreg:$0xd] =	wrdreg s0  }
0x19: {  	v0 =	vimm.f32 $0.0e+00;
	[dreg:$0xe] =	wrdreg s26;
	s26 =	simm.s32 $0x6000;
	s0 =	simm.s32 $0x1F80  }
.LBB2_8:
0x1a: {  	s2 =	stileid.u32;
	[bflag:$0x0] =	sbarrier.arrive $0xFFFF  }
0x1b: {  	s2 =	sshll.u32 s2, $0x6;
	s14 =	rddreg [dreg:$0x3]  }
0x1c: {  	s10 =	rddreg [dreg:$0xd];
	s2 =	sor.u32 $0x1C0B, s2;
	s9 =	sshrl.u32 s14, $0x3  }
0x1d: {  	[hbm:s10], [sflag:s2] =	dma.local [spmem:s9], $0x2780  }
0x1e: {  	_ =	swait.ge [sflag:s20], $0x2780  }
0x1f: {  	s10 =	rddreg [dreg:$0xf]  }
0x20: {  	s13 =	rddreg [dreg:$0xe];
	s9 =	sadd.s32 $0x1, s10  }
0x21: {  	p0 =	sne.s32 s9, s13  }
.Ltmp1:
0x22: {  	_ = 	snop;
	(pc) =	sbr.rel @!p0 .LBB2_9-.Ltmp1, $3  }
0x23: {  	_ =	sdelay $0x1  }
0x24: {  	[sflag:s20] =	ssyncset.done $0x0  }
0x25: {  	[sflag:s20] =	ssyncadd.s32 $0xFFFFD880  }
.LBB2_1:
0x26: {  	s13 =	simm.s32 $0x0  }
0x27: {  	s2 =	sand.u32 $0x7E00, s13  }
0x28: {  	[dreg:$0xf] =	wrdreg s9;
	s9 =	sand.u32 $0x70, s13;
	s10 =	sshrl.u32 s2, $0x2  }
0x29: {  	s2 =	simm.s32 $0x40;
	s10 =	sor.u32 s9, s10;
	s9 =	simm.s32 $0x0  }
.LBB2_2:
0x2a: {  	p0 =	sne.s32 s2, $0x7FC0  }
0x2b: {  	[tilespmem:s10+$0x2000] =	vst v0;
	s9 =	sadd.s32 $0x10, s9;
	s10 =	smov.u32 s2;
	s2 =	sadd.s32 $0x40, s2  }
.Ltmp2:
0x2c: {  	(pc) =	sbr.rel @p0 .LBB2_2-.Ltmp2, $4  }
0x2d: {  	_ = 	snop  }
0x2e: {  	s10 =	sand.u32 $0x7E00, s10  }
0x2f: {  	s13 =	sand.u32 $0x70, s9;
	s10 =	sshrl.u32 s10, $0x2  }
0x30: {  	s10 =	sor.u32 s13, s10  }
0x31: {  	[tilespmem:s10+$0x2000] =	vst v0  }
0x32: {  	[spmem:s14] =	stream.linear.scatter [tilespmem:s19], [sflag:$0xB], $0x2000, $0x38;
	[tilespmem:$0x1FC00] =	vst v63  }
0x33: {  	_ =	swait.ge [sflag:s20], $0x2000  }
0x34: {  	[sflag:s20] =	ssyncset.done $0x0  }
0x35: {  	s2 =	rddreg [dreg:$0x4];
	[sflag:s20] =	ssyncadd.s32 $0xFFFFE000  }
0x36: {  	[spmem:s2] =	stream.linear.scatter [tilespmem:s19], [sflag:$0xB], $0x2000, $0x38;
	[tilespmem:$0x1FC00] =	vst v63  }
0x37: {  	_ =	swait.ge [sflag:s20], $0x2000  }
0x38: {  	[sflag:s20] =	ssyncset.done $0x0  }
0x39: {  	s9 =	rddreg [dreg:$0x5];
	[sflag:s20] =	ssyncadd.s32 $0xFFFFE000  }
0x3a: {  	[spmem:s9] =	stream.linear.scatter [tilespmem:s19], [sflag:$0xB], $0x2000, $0x38;
	[tilespmem:$0x1FC00] =	vst v63  }
0x3b: {  	_ =	swait.ge [sflag:s20], $0x2000  }
0x3c: {  	[sflag:s20] =	ssyncset.done $0x0  }
0x3d: {  	s10 =	rddreg [dreg:$0x6];
	[sflag:s20] =	ssyncadd.s32 $0xFFFFE000  }
0x3e: {  	[spmem:s10] =	stream.linear.scatter [tilespmem:s19], [sflag:$0xB], $0x2000, $0x38;
	[tilespmem:$0x1FC00] =	vst v63  }
0x3f: {  	_ =	swait.ge [sflag:s20], $0x2000  }
0x40: {  	[sflag:s20] =	ssyncset.done $0x0  }
0x41: {  	s13 =	rddreg [dreg:$0x7];
	[sflag:s20] =	ssyncadd.s32 $0xFFFFE000  }
0x42: {  	[spmem:s13] =	stream.linear.scatter [tilespmem:s19], [sflag:$0xB], $0x2000, $0x38;
	[tilespmem:$0x1FC00] =	vst v63  }
0x43: {  	_ =	swait.ge [sflag:s20], $0x2000  }
0x44: {  	[sflag:s20] =	ssyncset.done $0x0  }
0x45: {  	s14 =	rddreg [dreg:$0x8];
	[sflag:s20] =	ssyncadd.s32 $0xFFFFE000  }
0x46: {  	[spmem:s14] =	stream.linear.scatter [tilespmem:s19], [sflag:$0xB], $0x2000, $0x38;
	[tilespmem:$0x1FC00] =	vst v63  }
0x47: {  	_ =	swait.ge [sflag:s20], $0x2000  }
0x48: {  	[sflag:s20] =	ssyncset.done $0x0  }
0x49: {  	s9 =	rddreg [dreg:$0x9];
	[sflag:s20] =	ssyncadd.s32 $0xFFFFE000  }
0x4a: {  	[spmem:s9] =	stream.linear.scatter [tilespmem:s19], [sflag:$0xB], $0x2000, $0x38;
	[tilespmem:$0x1FC00] =	vst v63  }
0x4b: {  	_ =	swait.ge [sflag:s20], $0x2000  }
0x4c: {  	[sflag:s20] =	ssyncset.done $0x0  }
0x4d: {  	s10 =	rddreg [dreg:$0xa];
	[sflag:s20] =	ssyncadd.s32 $0xFFFFE000  }
0x4e: {  	[spmem:s10] =	stream.linear.scatter [tilespmem:s19], [sflag:$0xB], $0x2000, $0x38;
	[tilespmem:$0x1FC00] =	vst v63  }
0x4f: {  	_ =	swait.ge [sflag:s20], $0x2000  }
0x50: {  	[sflag:s20] =	ssyncset.done $0x0  }
0x51: {  	s13 =	rddreg [dreg:$0xb];
	[sflag:s20] =	ssyncadd.s32 $0xFFFFE000  }
0x52: {  	[spmem:s13] =	stream.linear.scatter [tilespmem:s19], [sflag:$0xB], $0x2000, $0x38;
	[tilespmem:$0x1FC00] =	vst v63  }
0x53: {  	_ =	swait.ge [sflag:s20], $0x2000  }
0x54: {  	[sflag:s20] =	ssyncset.done $0x0  }
0x55: {  	s14 =	rddreg [dreg:$0xc];
	[sflag:s20] =	ssyncadd.s32 $0xFFFFE000  }
0x56: {  	[spmem:s14] =	stream.linear.scatter [tilespmem:s19], [sflag:$0xB], $0x1C00, $0x38;
	[tilespmem:$0x1FC00] =	vst v63  }
.Ltmp3:
0x57: {  	_ =	swait.ge [sflag:s20], $0x1C00;
	(pc) =	sbr.rel .LBB2_4-.Ltmp3, $4  }
0x58: {  	[sflag:s20] =	ssyncset.done $0x0  }
0x59: {  	[sflag:s20] =	ssyncadd.s32 $0xFFFFE400  }
0x5a: {  	[bflag:$0x0] =	sbarrier.arrive $0xFFFF  }
0x5b: {  	s2 =	simm.s32 $0x0;
	s9 =	simm.s32 $0x0  }
.LBB2_7:
0x5c: {  	_ =	swait.ge [sflag:s23], $0x2000  }
0x5d: {  	[sflag:s23] =	ssyncset.done $0x0  }
0x5e: {  	[sflag:s23] =	ssyncadd.s32 $0xFFFFE000  }
0x5f: {  	_ =	swait.ge [sflag:s28], $0x2000  }
0x60: {  	[sflag:s28] =	ssyncset.done $0x0  }
0x61: {  	[sflag:s28] =	ssyncadd.s32 $0xFFFFE000  }
0x62: {  	[spmem:s1] =	stream.indirect.scatter.add.f32 [tilespmem:s19], [sflag:$0x6], $0x80, s29, s22, $0xb8;
	[tilespmem:$0x1FC00] =	vst v63  }
0x63: {  	_ =	swait.ge [sflag:s25], $0x2000  }
0x64: {  	[sflag:s25] =	ssyncset.done $0x0  }
0x65: {  	[sflag:s25] =	ssyncadd.s32 $0xFFFFE000  }
0x66: {  	_ =	swait.ge [sflag:s31], $0x2000  }
0x67: {  	[sflag:s31] =	ssyncset.done $0x0  }
0x68: {  	s9 =	sadd.s32 $0x1, s9;
	[sflag:s31] =	ssyncadd.s32 $0xFFFFE000  }
0x69: {  	[spmem:s1] =	stream.indirect.scatter.add.f32 [tilespmem:s24], [sflag:$0x7], $0x80, s0, s22, $0xb8;
	[tilespmem:$0x1FC00] =	vst v63  }
0x6a: {  	p0 =	sne.s32 s9, $0x5;
	_ =	swait.ge [sflag:s7], $0x2000  }
.Ltmp4:
0x6b: {  	[sflag:s7] =	ssyncset.done $0x0;
	(pc) =	sbr.rel @!p0 .LBB2_8-.Ltmp4, $4  }
0x6c: {  	[sflag:s7] =	ssyncadd.s32 $0xFFFFE000  }
0x6d: {  	_ =	swait.ge [sflag:s11], $0x2000  }
0x6e: {  	[sflag:s11] =	ssyncset.done $0x0  }
0x6f: {  	[sflag:s11] =	ssyncadd.s32 $0xFFFFE000  }
.LBB2_4:
0x70: {  	s10 =	sshll.u32 s9, $0xC  }
0x71: {  	s10 =	sadd.s32 s16, s10  }
0x72: {  	s10 =	sshrl.u32 s10, $0x3  }
0x73: {  	s10 =	sadd.s32 s5, s10  }
0x74: {  	[tilespmem:s2], [sflag:$0xB] =	stream.linear.gather [hbm4b:s10+s2], $0x1000, $0x38;
	[tilespmem:$0x1FC00] =	vst v63  }
0x75: {  	_ =	swait.ge [sflag:s20], $0x1000  }
0x76: {  	[sflag:s20] =	ssyncset.done $0x0  }
0x77: {  	s10 =	sadd.s32 $0x14000, s10;
	[sflag:s20] =	ssyncadd.s32 $0xFFFFF000  }
0x78: {  	[tilespmem:s21], [sflag:$0xB] =	stream.linear.gather [hbm4b:s10+s2], $0x1000, $0x38;
	[tilespmem:$0x1FC00] =	vst v63  }
0x79: {  	_ =	swait.ge [sflag:s20], $0x1000  }
0x7a: {  	[sflag:s20] =	ssyncset.done $0x0  }
0x7b: {  	[sflag:s20] =	ssyncadd.s32 $0xFFFFF000  }
0x7c: {  	[tilespmem:s19], [sflag:$0x1] =	stream.indirect.gather [hbm4b:s4+s22], $0x80, s2, s22, $0xb8;
	[tilespmem:$0x1FC00] =	vst v63  }
0x7d: {  	s14 =	simm.s32 $0x80  }
0x7e: {  	[tilespmem:s24], [sflag:$0x2] =	stream.indirect.gather [hbm4b:s4+s22], $0x80, s14, s22, $0xb8;
	[tilespmem:$0x1FC00] =	vst v63  }
0x7f: {  	s13 =	simm.s32 $0x100  }
0x80: {  	[tilespmem:s26], [sflag:$0x3] =	stream.indirect.gather [hbm4b:s4+s22], $0x80, s13, s22, $0xb8;
	[tilespmem:$0x1FC00] =	vst v63  }
0x81: {  	_ =	swait.ge [sflag:s28], $0x2000  }
0x82: {  	[sflag:s28] =	ssyncset.done $0x0  }
0x83: {  	[sflag:s28] =	ssyncadd.s32 $0xFFFFE000  }
0x84: {  	[spmem:s1] =	stream.indirect.scatter.add.f32 [tilespmem:s19], [sflag:$0x6], $0x80, s21, s22, $0xb8;
	[tilespmem:$0x1FC00] =	vst v63  }
0x85: {  	s14 =	simm.s32 $0x180  }
0x86: {  	[tilespmem:s30], [sflag:$0x4] =	stream.indirect.gather [hbm4b:s4+s22], $0x80, s14, s22, $0xb8;
	[tilespmem:$0x1FC00] =	vst v63  }
0x87: {  	_ =	swait.ge [sflag:s31], $0x2000  }
0x88: {  	[sflag:s31] =	ssyncset.done $0x0  }
0x89: {  	s13 =	simm.s32 $0x1080;
	[sflag:s31] =	ssyncadd.s32 $0xFFFFE000  }
0x8a: {  	[spmem:s1] =	stream.indirect.scatter.add.f32 [tilespmem:s24], [sflag:$0x7], $0x80, s13, s22, $0xb8;
	[tilespmem:$0x1FC00] =	vst v63  }
0x8b: {  	s14 =	simm.s32 $0x200  }
0x8c: {  	[tilespmem:s3], [sflag:$0x5] =	stream.indirect.gather [hbm4b:s4+s22], $0x80, s14, s22, $0xb8;
	[tilespmem:$0x1FC00] =	vst v63  }
0x8d: {  	_ =	swait.ge [sflag:s7], $0x2000  }
0x8e: {  	[sflag:s7] =	ssyncset.done $0x0  }
0x8f: {  	[sflag:s7] =	ssyncadd.s32 $0xFFFFE000  }
0x90: {  	_ =	swait.ge [sflag:s8], $0x2000  }
0x91: {  	[sflag:s8] =	ssyncset.done $0x0  }
0x92: {  	s13 =	simm.s32 $0x1100;
	[sflag:s8] =	ssyncadd.s32 $0xFFFFE000  }
0x93: {  	[spmem:s1] =	stream.indirect.scatter.add.f32 [tilespmem:s26], [sflag:$0x8], $0x80, s13, s22, $0xb8;
	[tilespmem:$0x1FC00] =	vst v63  }
0x94: {  	s14 =	simm.s32 $0x280  }
0x95: {  	[tilespmem:s19], [sflag:$0x1] =	stream.indirect.gather [hbm4b:s4+s22], $0x80, s14, s22, $0xb8;
	[tilespmem:$0x1FC00] =	vst v63  }
0x96: {  	_ =	swait.ge [sflag:s11], $0x2000  }
0x97: {  	[sflag:s11] =	ssyncset.done $0x0  }
0x98: {  	[sflag:s11] =	ssyncadd.s32 $0xFFFFE000  }
0x99: {  	_ =	swait.ge [sflag:s12], $0x2000  }
0x9a: {  	[sflag:s12] =	ssyncset.done $0x0  }
0x9b: {  	s13 =	simm.s32 $0x1180;
	[sflag:s12] =	ssyncadd.s32 $0xFFFFE000  }
0x9c: {  	[spmem:s1] =	stream.indirect.scatter.add.f32 [tilespmem:s30], [sflag:$0x9], $0x80, s13, s22, $0xb8;
	[tilespmem:$0x1FC00] =	vst v63  }
0x9d: {  	s14 =	simm.s32 $0x300  }
0x9e: {  	[tilespmem:s24], [sflag:$0x2] =	stream.indirect.gather [hbm4b:s4+s22], $0x80, s14, s22, $0xb8;
	[tilespmem:$0x1FC00] =	vst v63  }
0x9f: {  	_ =	swait.ge [sflag:s15], $0x2000  }
0xa0: {  	[sflag:s15] =	ssyncset.done $0x0  }
0xa1: {  	[sflag:s15] =	ssyncadd.s32 $0xFFFFE000  }
0xa2: {  	_ =	swait.ge [sflag:s17], $0x2000  }
0xa3: {  	[sflag:s17] =	ssyncset.done $0x0  }
0xa4: {  	[sflag:s17] =	ssyncadd.s32 $0xFFFFE000  }
0xa5: {  	[spmem:s1] =	stream.indirect.scatter.add.f32 [tilespmem:s3], [sflag:$0xA], $0x80, s18, s22, $0xb8;
	[tilespmem:$0x1FC00] =	vst v63  }
0xa6: {  	s10 =	simm.s32 $0x0  }
0xa7: {  	[tilespmem:s26], [sflag:$0x3] =	stream.indirect.gather [hbm4b:s4+s22], $0x80, s6, s22, $0xb8;
	[tilespmem:$0x1FC00] =	vst v63  }
.LBB2_5:
0xa8: {  	_ =	swait.ge [sflag:s23], $0x2000  }
0xa9: {  	[sflag:s23] =	ssyncset.done $0x0  }
0xaa: {  	[sflag:s23] =	ssyncadd.s32 $0xFFFFE000  }
0xab: {  	_ =	swait.ge [sflag:s28], $0x2000  }
0xac: {  	s13 =	sshra.s32 s10, $0x2;
	[sflag:s28] =	ssyncset.done $0x0  }
0xad: {  	s14 =	sadd.s32 $0x1280, s13;
	[sflag:s28] =	ssyncadd.s32 $0xFFFFE000  }
0xae: {  	[spmem:s1] =	stream.indirect.scatter.add.f32 [tilespmem:s19], [sflag:$0x6], $0x80, s14, s22, $0xb8;
	[tilespmem:$0x1FC00] =	vst v63  }
0xaf: {  	s14 =	sadd.s32 $0x400, s13  }
0xb0: {  	[tilespmem:s30], [sflag:$0x4] =	stream.indirect.gather [hbm4b:s4+s22], $0x80, s14, s22, $0xb8;
	[tilespmem:$0x1FC00] =	vst v63  }
0xb1: {  	_ =	swait.ge [sflag:s25], $0x2000  }
0xb2: {  	[sflag:s25] =	ssyncset.done $0x0  }
0xb3: {  	[sflag:s25] =	ssyncadd.s32 $0xFFFFE000  }
0xb4: {  	_ =	swait.ge [sflag:s31], $0x2000  }
0xb5: {  	[sflag:s31] =	ssyncset.done $0x0  }
0xb6: {  	s14 =	sadd.s32 $0x1300, s13;
	[sflag:s31] =	ssyncadd.s32 $0xFFFFE000  }
0xb7: {  	[spmem:s1] =	stream.indirect.scatter.add.f32 [tilespmem:s24], [sflag:$0x7], $0x80, s14, s22, $0xb8;
	[tilespmem:$0x1FC00] =	vst v63  }
0xb8: {  	s14 =	sadd.s32 $0x480, s13  }
0xb9: {  	[tilespmem:s3], [sflag:$0x5] =	stream.indirect.gather [hbm4b:s4+s22], $0x80, s14, s22, $0xb8;
	[tilespmem:$0x1FC00] =	vst v63  }
0xba: {  	_ =	swait.ge [sflag:s7], $0x2000  }
0xbb: {  	[sflag:s7] =	ssyncset.done $0x0  }
0xbc: {  	[sflag:s7] =	ssyncadd.s32 $0xFFFFE000  }
0xbd: {  	_ =	swait.ge [sflag:s8], $0x2000  }
0xbe: {  	[sflag:s8] =	ssyncset.done $0x0  }
0xbf: {  	s14 =	sadd.s32 $0x1380, s13;
	[sflag:s8] =	ssyncadd.s32 $0xFFFFE000  }
0xc0: {  	[spmem:s1] =	stream.indirect.scatter.add.f32 [tilespmem:s26], [sflag:$0x8], $0x80, s14, s22, $0xb8;
	[tilespmem:$0x1FC00] =	vst v63  }
0xc1: {  	s14 =	sadd.s32 $0x500, s13  }
0xc2: {  	[tilespmem:s19], [sflag:$0x1] =	stream.indirect.gather [hbm4b:s4+s22], $0x80, s14, s22, $0xb8;
	[tilespmem:$0x1FC00] =	vst v63  }
0xc3: {  	_ =	swait.ge [sflag:s11], $0x2000  }
0xc4: {  	[sflag:s11] =	ssyncset.done $0x0  }
0xc5: {  	[sflag:s11] =	ssyncadd.s32 $0xFFFFE000  }
0xc6: {  	_ =	swait.ge [sflag:s12], $0x2000  }
0xc7: {  	[sflag:s12] =	ssyncset.done $0x0  }
0xc8: {  	s14 =	sadd.s32 $0x1400, s13;
	[sflag:s12] =	ssyncadd.s32 $0xFFFFE000  }
0xc9: {  	[spmem:s1] =	stream.indirect.scatter.add.f32 [tilespmem:s30], [sflag:$0x9], $0x80, s14, s22, $0xb8;
	[tilespmem:$0x1FC00] =	vst v63  }
0xca: {  	s14 =	sadd.s32 $0x580, s13  }
0xcb: {  	[tilespmem:s24], [sflag:$0x2] =	stream.indirect.gather [hbm4b:s4+s22], $0x80, s14, s22, $0xb8;
	[tilespmem:$0x1FC00] =	vst v63  }
0xcc: {  	_ =	swait.ge [sflag:s15], $0x2000  }
0xcd: {  	p0 =	seq.s32 s10, $0x2800;
	[sflag:s15] =	ssyncset.done $0x0  }
.Ltmp5:
0xce: {  	[sflag:s15] =	ssyncadd.s32 $0xFFFFE000;
	(pc) =	sbr.rel @p0 .LBB2_7-.Ltmp5, $4  }
0xcf: {  	_ =	swait.ge [sflag:s17], $0x2000  }
0xd0: {  	[sflag:s17] =	ssyncset.done $0x0  }
0xd1: {  	s14 =	sadd.s32 $0x1480, s13;
	[sflag:s17] =	ssyncadd.s32 $0xFFFFE000  }
0xd2: {  	[spmem:s1] =	stream.indirect.scatter.add.f32 [tilespmem:s3], [sflag:$0xA], $0x80, s14, s22, $0xb8;
	[tilespmem:$0x1FC00] =	vst v63  }
.Ltmp6:
0xd3: {  	(pc) =	sbr.rel .LBB2_5-.Ltmp6, $3  }
0xd4: {  	_ =	sdelay $0x1  }
0xd5: {  	s13 =	sadd.s32 $0x600, s13;
	s10 =	sadd.s32 $0xA00, s10  }
0xd6: {  	[tilespmem:s26], [sflag:$0x3] =	stream.indirect.gather [hbm4b:s4+s22], $0x80, s13, s22, $0xb8;
	[tilespmem:$0x1FC00] =	vst v63  }
.LBB2_9:
0xd7: {  	_ =	sfence.sel $0x180000  }
0xd8: {  	[bflag:$0x0] =	sbarrier.arrive $0xFFFF  }
0xd9: {  	_ =	strace $0x9000004D  }
0xda: {  	s0 =	stileid.u32;
	[bflag:$0x2] =	sbarrier.arrive $0xFFFF  }
0xdb: {  	p0 =	sne.s32 s0, $0x0;
	s0 =	rddreg [dreg:$0x2]  }
0xdc: {  	s0 =	sadd.s32 @!p0 $0x100000, s0  }
0xdd: {  	[sflag:s0] =	ssyncadd.tile.s32 @!p0 $0x1;
	_ =	shalt  }
.Lfunc_end2:
_tile_overlayer_lowered:
.L_overlay_start_2:
0xde: {  	(tag) =	ssettag $0x2  }
0xdf: {  	s0 =	rddreg [dreg:$0x0];
	s2 =	stileid.u32  }
0xe0: {  	s1 =	rddreg [dreg:$0x1];
	p0 =	sne.s32 s2, $0x0  }
0xe1: {  	s3 =	rddreg [dreg:$0x2];
	[bflag:$0x3] =	sbarrier.arrive $0xFFFF;
	s2 =	simm.s32 @!p0 $0x1C0B  }
0xe2: {  	[timem:s3], [sflag:s2] =	dma.local @!p0 [hbm:s0], s1  }
0xe3: {  	s0 =	simm.s32 @!p0 $0xB  }
0xe4: {  	_ =	swait.ge @!p0 [sflag:s0], s1  }
0xe5: {  	s1 =	ssub.s32 @!p0 $0x0, s1;
	[sflag:s0] =	ssyncset.done @!p0 $0x0  }
0xe6: {  	[sflag:s0] =	ssyncadd.s32 @!p0 s1  }
0xe7: {  	[bflag:$0x3] =	sbarrier.arrive $0xFFFF  }
0xe8: {  	_ =	shalt  }

// kernel: kernel.7.cloned.1.call-start
scs
__scs_entry_jumppad:
0x0: {  	(pc) =	sbr.rel $0x88, $3  }
0x1: {  	(tag) =	ssettag $0x0;
	lr =	simm.s32 $0x1  }
0x2: {  	[smem:$0x3F9D] =	sst lr;
	_ =	strace $0xD0000000  }
0x3: {  	_ = 	snop  }
0x4: {  	_ = 	snop  }
0x5: {  	_ = 	snop  }
0x6: {  	_ = 	snop  }
0x7: {  	_ = 	snop  }
__scs_overlays_trampoline_lowered:
0x8: {  	[smem:$0x3FAC] =	sst s0  }
0x9: {  	[smem:$0x3FAD] =	sst s1  }
0xa: {  	[smem:$0x3FAE] =	sst s2  }
0xb: {  	[smem:$0x3FAF] =	sst s3  }
0xc: {  	[smem:$0x3FB0] =	sst s4  }
0xd: {  	[smem:$0x3FB1] =	sst s5  }
0xe: {  	[smem:$0x3FB2] =	sst s6  }
0xf: {  	[smem:$0x3FB3] =	sst s7  }
0x10: {  	[smem:$0x3FB4] =	sst s8  }
0x11: {  	[smem:$0x3FB5] =	sst s9;
	s0 =	simm.s32 @!p0 $0x0  }
0x12: {  	s1 =	sld [smem:$0x3F9B];
	s0 =	simm.s32 @p0 $0x1  }
0x13: {  	[smem:$0x3FB6] =	sst s0;
	s0 =	simm.s32 @!p1 $0x0  }
0x14: {  	s2 =	sld [smem:$0x3F9A];
	s0 =	simm.s32 @p1 $0x1  }
0x15: {  	[smem:$0x3FB7] =	sst s0;
	s0 =	simm.s32 @!p2 $0x0  }
0x16: {  	s3 =	sld [smem:$0x3FDB];
	s0 =	simm.s32 @p2 $0x1  }
0x17: {  	s4 =	simm.s32 $0x1BF5;
	[smem:$0x3FB9] =	sst s0  }
0x18: {  	s0 =	sld [smem:$0x3F9C];
	_ =	swait.ge [sflag:s4], $0x0  }
0x19: {  	s7 =	sld [smem:$0x3F9D]  }
0x1a: {  	s8 =	sadd.s32 $0xFFFFE003, lr  }
0x1b: {  	s9 =	sadd.s32 $0xFFFFFEF7, lr;
	s5 =	simm.s32 $0xFFFFFFFF;
	p2 =	slt.u32 s8, $0xFFFFF086  }
0x1c: {  	p1 =	slt.u32 s9, $0xF7A;
	s5 =	simm.s32 @!p2 $0x0  }
0x1d: {  	s5 =	simm.s32 @p1 $0x1;
	p0 =	seq.s32 s7, s2  }
0x1e: {  	s7 =	smul.u32 @!p0 $0xF7A, s2;
	p2 =	seq.s32 @!p0 s5, $0x0  }
0x1f: {  	s9 =	smul.u32 $0xF7A, s1;
	s8 =	simm.s32 @!p0 $0x1BF5;
	p2 =	por !p2, p0  }
0x20: {  	[sflag:s8] =	ssyncset.s32 @!p0 $0xFFFFF086;
	s6 =	sadd.s32 @!p0 s3, s7;
	s7 =	simm.s32 @!p0 $0x108  }
0x21: {  	s3 =	sadd.s32 s3, s9;
	s6 =	sadd.s32 @!p0 $0x88, s6;
	s7 =	simm.s32 @p2 $0x1082  }
0x22: {  	[simem:s7], [sflag:s8] =	dma.local @!p0 [hbm:s6], $0xF7A  }
0x23: {  	s9 =	sor.u32 $0xD0000000, s2;
	s6 =	simm.s32 $0x108;
	_ =	swait.ge @!p0 [sflag:s8], $0x0  }
0x24: {  	s3 =	sadd.s32 $0x88, s3;
	s6 =	simm.s32 @!p1 $0x1082;
	[sflag:s4] =	ssyncset.s32 $0xFFFFF086  }
0x25: {  	[simem:s6], [sflag:s4] =	dma.local [hbm:s3], $0xF7A  }
0x26: {  	[smem:$0x3F9D] =	sst s1;
	(tag) =	ssettag s2;
	_ =	strace s9  }
0x27: {  	s1 =	sld [smem:$0x3FAD]  }
0x28: {  	s2 =	sld [smem:$0x3FAE]  }
0x29: {  	s4 =	sld [smem:$0x3FB0]  }
0x2a: {  	p0 =	seq.s32 s5, $0x0;
	s5 =	sld [smem:$0x3FB1]  }
0x2b: {  	s6 =	sld [smem:$0x3FB2]  }
0x2c: {  	s7 =	sld [smem:$0x3FB3]  }
0x2d: {  	s3 =	simm.s32 $0x108;
	s8 =	sld [smem:$0x3FB4]  }
0x2e: {  	s3 =	simm.s32 @!p0 $0x1082;
	s9 =	sld [smem:$0x3FB5]  }
0x2f: {  	lr =	sadd.s32 s0, s3;
	s0 =	sld [smem:$0x3FAC]  }
0x30: {  	s3 =	sld [smem:$0x3FAF]  }
0x31: {  	[smem:$0x3FB8] =	sst s10  }
0x32: {  	s10 =	sld [smem:$0x3FB6];
	_ =	sdelay $0x3  }
0x33: {  	p0 =	seq.s32 s10, $0x1;
	s10 =	sld [smem:$0x3FB8];
	_ =	sdelay $0x3  }
0x34: {  	[smem:$0x3FB8] =	sst s10  }
0x35: {  	s10 =	sld [smem:$0x3FB7];
	_ =	sdelay $0x3  }
0x36: {  	p1 =	seq.s32 s10, $0x1;
	s10 =	sld [smem:$0x3FB8];
	_ =	sdelay $0x3  }
0x37: {  	[smem:$0x3FB8] =	sst s10  }
0x38: {  	s10 =	sld [smem:$0x3FB9]  }
0x39: {  	_ = 	snop;
	(pc) =	sbr.ind lr, $3  }
0x3a: {  	_ = 	snop  }
0x3b: {  	_ = 	snop  }
0x3c: {  	p2 =	seq.s32 s10, $0x1;
	s10 =	sld [smem:$0x3FB8]  }
0x3d: {  	_ =	shalt  }
0x3e: {  	_ =	shalt  }
0x3f: {  	_ =	shalt  }
0x40: {  	_ =	shalt  }
0x41: {  	_ =	shalt  }
0x42: {  	_ =	shalt  }
0x43: {  	_ =	shalt  }
0x44: {  	_ =	shalt  }
0x45: {  	_ =	shalt  }
0x46: {  	_ =	shalt  }
0x47: {  	_ =	shalt  }
0x48: {  	_ =	shalt  }
0x49: {  	_ =	shalt  }
0x4a: {  	_ =	shalt  }
0x4b: {  	_ =	shalt  }
0x4c: {  	_ =	shalt  }
0x4d: {  	_ =	shalt  }
0x4e: {  	_ =	shalt  }
0x4f: {  	_ =	shalt  }
0x50: {  	_ =	shalt  }
0x51: {  	_ =	shalt  }
0x52: {  	_ =	shalt  }
0x53: {  	_ =	shalt  }
0x54: {  	_ =	shalt  }
0x55: {  	_ =	shalt  }
0x56: {  	_ =	shalt  }
0x57: {  	_ =	shalt  }
0x58: {  	_ =	shalt  }
0x59: {  	_ =	shalt  }
0x5a: {  	_ =	shalt  }
0x5b: {  	_ =	shalt  }
0x5c: {  	_ =	shalt  }
0x5d: {  	_ =	shalt  }
0x5e: {  	_ =	shalt  }
0x5f: {  	_ =	shalt  }
0x60: {  	_ =	shalt  }
0x61: {  	_ =	shalt  }
0x62: {  	_ =	shalt  }
0x63: {  	_ =	shalt  }
0x64: {  	_ =	shalt  }
0x65: {  	_ =	shalt  }
0x66: {  	_ =	shalt  }
0x67: {  	_ =	shalt  }
0x68: {  	_ =	shalt  }
0x69: {  	_ =	shalt  }
0x6a: {  	_ =	shalt  }
0x6b: {  	_ =	shalt  }
0x6c: {  	_ =	shalt  }
0x6d: {  	_ =	shalt  }
0x6e: {  	_ =	shalt  }
0x6f: {  	_ =	shalt  }
0x70: {  	_ =	shalt  }
0x71: {  	_ =	shalt  }
0x72: {  	_ =	shalt  }
0x73: {  	_ =	shalt  }
0x74: {  	_ =	shalt  }
0x75: {  	_ =	shalt  }
0x76: {  	_ =	shalt  }
0x77: {  	_ =	shalt  }
0x78: {  	_ =	shalt  }
0x79: {  	_ =	shalt  }
0x7a: {  	_ =	shalt  }
0x7b: {  	_ =	shalt  }
0x7c: {  	_ =	shalt  }
0x7d: {  	_ =	shalt  }
0x7e: {  	_ =	shalt  }
0x7f: {  	_ =	shalt  }
0x80: {  	_ =	shalt  }
0x81: {  	_ =	shalt  }
0x82: {  	_ =	shalt  }
0x83: {  	_ =	shalt  }
0x84: {  	_ =	shalt  }
0x85: {  	_ =	shalt  }
0x86: {  	_ =	shalt  }
0x87: {  	_ =	shalt  }
.Lfunc_end0:
.L_simem_size_0:
called_computation_lowered:
.L_overlay_start_0:
0x88: {  	s2 =	sld [smem:$0x3FD9]  }
0x89: {  	s3 =	sld [smem:$0x3FFE];
	_ =	sdelay $0x1  }
0x8a: {  	s1 =	srdreg.scid  }
0x8b: {  	s0 =	sand.u32 $0x1, s1  }
0x8c: {  	s16 =	sshll.u32 s0, $0xA;
	s2 =	sadd.s32 s3, s2  }
0x8d: {  	s2 =	sadd.s32 s2, s16  }
0x8e: {  	[smem:$0x3FC4] =	sst s2  }
0x8f: {  	_ = 	snop  }
0x90: {  	(tm) =	ssettm $0x1  }
0x91: {  	s17 =	sld [smem:$0x3FFB];
	_ =	sdelay $0x3  }
0x92: {  	_ =	strace s17  }
0x93: {  	s2 =	sld [smem:$0x3FFC];
	_ =	sdelay $0x3  }
0x94: {  	_ =	strace s2  }
0x95: {  	s2 =	sld [smem:$0x3FFD];
	_ =	sdelay $0x3  }
0x96: {  	_ =	strace s2  }
0x97: {  	_ =	strace $0x8FFFFFFF  }
0x98: {  	s18 =	sld [smem:$0x3FDB];
	_ =	sdelay $0x1  }
0x99: {  	s19 =	simm.s32 $_scs_section_size  }
0x9a: {  	s4 =	simm.s32 $_size__tile_overlayer_lowered;
	s5 =	simm.s32 $_tile_overlayer_lowered  }
0x9b: {  	s22 =	simm.s32 $0x1BFF;
	s21 =	sshll.u32 s5, $0x1;
	s2 =	sadd.s32 s19, s18  }
0x9c: {  	s6 =	simm.s32 $0x0;
	s20 =	sshll.u32 s4, $0x1;
	s4 =	sadd.s32 s21, s2  }
0x9d: {  	[timem:s6], [sflag:s22] =	dma.local [hbm:s4], s20  }
0x9e: {  	_ =	swait.ge [sflag:s22], s20  }
0x9f: {  	s3 =	ssub.s32 $0x0, s20;
	[sflag:s22] =	ssyncset.done $0x0  }
0xa0: {  	[sflag:s22] =	ssyncadd.s32 s3;
	_ =	sdelay $0x1  }
0xa1: {  	s23 =	simm.s32 $0x1B8B  }
0xa2: {  	_ =	swait.ge [sflag:s23], $0x1  }
0xa3: {  	[sflag:s23] =	ssyncset.done $0x0  }
0xa4: {  	s25 =	simm.s32 $0x1B8E;
	s24 =	sld [smem:$0x3FFE];
	[sflag:s23] =	ssyncadd.s32 $0xFFFFFFFF  }
0xa5: {  	s26 =	simm.s32 $execute0_lowered;
	[smem:$0x3FD2] =	sst s25  }
0xa6: {  	s4 =	sshll.u32 s26, $0x1;
	_ =	strace $0x80000046;
	[dreg:$0x1] =	wrdreg $0xFFFFFFFF  }
0xa7: {  	s28 =	simm.s32 $_size_execute0_lowered;
	s2 =	sadd.s32 s2, s4;
	[dreg:$0x0] =	wrdreg $0x0  }
0xa8: {  	s4 =	sshll.u32 s28, $0x1;
	[dreg:$0x2] =	wrdreg s2  }
0xa9: {  	[dreg:$0x3] =	wrdreg s4  }
0xaa: {  	[dreg:$0x4] =	wrdreg $0xC0  }
0xab: {  	_ =	task [dreg:s6], $0x5FFFF  }
0xac: {  	[dreg:$0x1] =	wrdreg $0xFFFFFFFF  }
0xad: {  	[dreg:$0x0] =	wrdreg $0x60  }
0xae: {  	[dreg:$0x2] =	wrdreg s24  }
0xaf: {  	[dreg:$0x3] =	wrdreg $0xA  }
0xb0: {  	_ =	task.clear_ibuf [dreg:s6], $0x4FFFF;
	_ =	strace $0x90000046  }
0xb1: {  	s29 =	simm.s32 $0xA;
	_ =	strace $0x80000048  }
0xb2: {  	_ =	swait.ge [sflag:s29], $0x1  }
0xb3: {  	[sflag:s29] =	ssyncadd.s32 $0xFFFFFFFF  }
0xb4: {  	_ =	strace $0x90000048  }
0xb5: {  	_ =	sfence  }
0xb6: {  	s30 =	sld [smem:$0x0];
	_ =	sdelay $0x2  }
0xb7: {  	s31 =	sshll.u32 s1, $0xD;
	s1 =	sshrl.u32 s1, $0x2  }
0xb8: {  	s3 =	sand.u32 $0x4000, s31;
	s1 =	sadd.s32 s1, s30  }
0xb9: {  	s0 =	sor.u32 s3, s0;
	s1 =	sshll.u32 s1, $0x11  }
0xba: {  	s0 =	sor.u32 s1, s0  }
0xbb: {  	s0 =	sadd.s32 $0x8F2B, s0  }
0xbc: {  	[sflag:s0] =	ssyncadd.remote.s32 $0x1  }
0xbd: {  	_ =	sfence.sel $0xFFFF  }
0xbe: {  	[dreg:$0x0] =	wrdreg $0xFFFFFFFF;
	(pc) =	sbr.abs _section_cstart, $3  }
0xbf: {  	[dreg:$0x1] =	wrdreg $0xFFFFFFFF  }
0xc0: {  	_ =	task.clear_ibuf [dreg:s6], $0x2FFFF;
	_ =	strace $0x9FFFFFFF  }
0xc1: {  	(tm) =	ssettm $0x7FFFFFFF  }
tec
execute0_lowered:
.L_overlay_start_1:
0x0: {  	(tag) =	ssettag $0x1  }
0x1: {  	s0 =	srdreg.scid  }
0x2: {  	s5 =	rddreg [dreg:$0x0];
	s3 =	sand.u32 $0x1, s0  }
0x3: {  	s2 =	simm.s32 $0x0;
	s0 =	stileid.u32;
	s1 =	sshll.u32 s3, $0x4  }
0x4: {  	s8 =	simm.s32 $0x80;
	s9 =	simm.s32 $0x400;
	s4 =	sor.u32 s0, s1  }
0x5: {  	s10 =	simm.s32 $0x0;
	[smem:$0x7FF] =	sst s2;
	s1 =	sshrl.u32 s4, $0x3  }
0x6: {  	s7 =	sshll.u32 s0, $0x7;
	s3 =	ssub.s32 $0x2, s3;
	s6 =	smul.u32 $0x13C00, s1  }
0x7: {  	s7 =	sand.u32 $0x380, s7;
	s31 =	sshrl.u32 s3, $0x1;
	s4 =	smul.u32 $0xA00, s4  }
0x8: {  	s1 =	rddreg [dreg:$0x1];
	_ =	strace $0x80000047;
	s6 =	sor.u32 s7, s6  }
0x9: {  	s4 =	sadd.s32 s4, s5;
	s7 =	simm.s32 $0x5000;
	s6 =	sshrl.u32 s6, $0x3  }
0xa: {  	s5 =	sadd.s32 s6, s5;
	s6 =	ssub.s32 s3, s31;
	s3 =	sadd.s32 $0x2200, s4  }
0xb: {  	v0 =	vimm.f32 $0.0e+00;
	v1 =	vimm.f32 $1.000000000e+00;
	s4 =	sadd.s32 $0x16200, s5;
	s5 =	smax.u32 s6, $0x1;
	s6 =	simm.s32 $0x1  }
.LBB2_1:
0xc: {  	[tilespmem:s2], [sflag:$0x1] =	stream.linear.gather [hbm4b:s3+s2], $0x5000, $0x38;
	[tilespmem:$0x7780] =	vst v63  }
0xd: {  	_ =	swait.ge [sflag:s6], $0x5000  }
0xe: {  	[sflag:s6] =	ssyncset.done $0x0  }
0xf: {  	s11 =	simm.s32 $0x0;
	[sflag:s6] =	ssyncadd.s32 $0xFFFFB000  }
.LBB2_2:
0x10: {  	p0 =	sne.s32 s11, $0x9DC0  }
.Ltmp0:
0x11: {  	_ = 	snop;
	(pc) =	sbr.rel @p0 .LBB2_2-.Ltmp0, $3  }
0x12: {  	_ =	sdelay $0x1  }
0x13: {  	s12 =	sshra.s32 s11, $0x2  }
0x14: {  	s11 =	sadd.s32 $0x40, s11;
	[tilespmem:s12+$0x5000] =	vst v0  }
0x15: {  	s11 =	simm.s32 $0x0  }
.LBB2_4:
0x16: {  	s12 =	sshra.s32 s11, $0x2  }
0x17: {  	v2 =	vld [tilespmem:s12+$0x0];
	_ =	sdelay $0x7  }
0x18: {  	[tilespmem:v2+s7+$0x0] =	vst.idx.add.f32.msk $0xffff, v1  }
0x19: {  	v2 =	vld [tilespmem:s12+$0x10];
	_ =	sdelay $0x7  }
0x1a: {  	[tilespmem:v2+s7+$0x0] =	vst.idx.add.f32.msk $0xffff, v1  }
0x1b: {  	v2 =	vld [tilespmem:s12+$0x20];
	_ =	sdelay $0x7  }
0x1c: {  	[tilespmem:v2+s7+$0x0] =	vst.idx.add.f32.msk $0xffff, v1  }
0x1d: {  	v2 =	vld [tilespmem:s12+$0x30];
	_ =	sdelay $0x2  }
0x1e: {  	p0 =	sne.s32 s11, $0x13E00  }
.Ltmp1:
0x1f: {  	_ = 	snop;
	(pc) =	sbr.rel @p0 .LBB2_4-.Ltmp1, $2  }
0x20: {  	_ =	sdelay $0x2  }
0x21: {  	s11 =	sadd.s32 $0x200, s11;
	[tilespmem:v2+s7+$0x0] =	vst.idx.add.f32.msk $0xffff, v1  }
0x22: {  	s10 =	sadd.s32 $0x1, s10  }
0x23: {  	p0 =	sne.s32 s10, s5  }
.Ltmp2:
0x24: {  	_ = 	snop;
	(pc) =	sbr.rel @p0 .LBB2_1-.Ltmp2, $4  }
0x25: {  	[hbm4b:s4+s8] =	stream.strided.scatter [tilespmem:s7], [sflag:$0x1], $0x2780, s9, s8, $0x38;
	[tilespmem:$0x7780] =	vst v63  }
0x26: {  	_ =	swait.ge [sflag:s6], $0x2780  }
0x27: {  	[sflag:s6] =	ssyncset.done $0x0  }
0x28: {  	[sflag:s6] =	ssyncadd.s32 $0xFFFFD880  }
0x29: {  	_ =	sfence.sel $0x180000  }
0x2a: {  	[bflag:$0x0] =	sbarrier.arrive $0xFFFF  }
0x2b: {  	p0 =	sne.s32 s0, $0x0;
	_ =	strace $0x90000047  }
0x2c: {  	s0 =	sadd.s32 @!p0 $0x100000, s1;
	[bflag:$0x2] =	sbarrier.arrive $0xFFFF  }
0x2d: {  	[sflag:s0] =	ssyncadd.tile.s32 @!p0 $0x1;
	_ =	shalt  }
.Lfunc_end2:
_tile_overlayer_lowered:
.L_overlay_start_2:
0x2e: {  	(tag) =	ssettag $0x2  }
0x2f: {  	s0 =	rddreg [dreg:$0x0];
	s2 =	stileid.u32  }
0x30: {  	s1 =	rddreg [dreg:$0x1];
	p0 =	sne.s32 s2, $0x0  }
0x31: {  	s3 =	rddreg [dreg:$0x2];
	[bflag:$0x3] =	sbarrier.arrive $0xFFFF;
	s2 =	simm.s32 @!p0 $0x1C01  }
0x32: {  	[timem:s3], [sflag:s2] =	dma.local @!p0 [hbm:s0], s1  }
0x33: {  	s0 =	simm.s32 @!p0 $0x1  }
0x34: {  	_ =	swait.ge @!p0 [sflag:s0], s1  }
0x35: {  	s1 =	ssub.s32 @!p0 $0x0, s1;
	[sflag:s0] =	ssyncset.done @!p0 $0x0  }
0x36: {  	[sflag:s0] =	ssyncadd.s32 @!p0 s1  }
0x37: {  	[bflag:$0x3] =	sbarrier.arrive $0xFFFF  }
0x38: {  	_ =	shalt  }

</sc_bundles>
